<compile_context>
chip_gen: v7x
topology: tpu7x:2x2x1
jax: 0.10.2.dev20260603
libtpu: 0.0.44.dev20260713+nightly
codegen_flags: <defaults>
</compile_context>

<pallas_src>
import functools

import jax
import jax.numpy as jnp
from jax import lax
from jax.experimental import pallas as pl
from jax.experimental.pallas import tpu as pltpu
from jax.experimental.pallas import tpu_sc as plsc

P = 5
C = 64
CH = 4 * C
HH = 160
WW = 160
NB = 2
T = 2
LL = (HH // P) * (WW // P)
D = P * P * C
DP = 1664

NW = 32
ROWS_TOTAL = T * NB * 3 * LL
ROWS_PER_W = ROWS_TOTAL // NW
CHUNK = 64


def _sc_gather(table, fidx):
    mesh = plsc.VectorSubcoreMesh(core_axis_name="c", subcore_axis_name="s")

    @functools.partial(
        pl.kernel,
        mesh=mesh,
        out_type=jax.ShapeDtypeStruct((ROWS_TOTAL, DP), jnp.float32),
        scratch_types=[
            pltpu.VMEM((CHUNK,), jnp.int32),
            pltpu.VMEM((CHUNK, DP), jnp.float32),
            pltpu.SemaphoreType.DMA,
        ],
    )
    def k(table_hbm, idx_hbm, out_hbm, idx_v, rows_v, sem):
        wid = lax.axis_index("s") * 2 + lax.axis_index("c")
        base = wid * ROWS_PER_W
        for ci in range(ROWS_PER_W // CHUNK):
            off = base + ci * CHUNK
            pltpu.sync_copy(idx_hbm.at[pl.ds(off, CHUNK)], idx_v)
            pltpu.async_copy(table_hbm.at[idx_v], rows_v, sem).wait()
            pltpu.sync_copy(rows_v, out_hbm.at[pl.ds(off, CHUNK)])

    return k(table, fidx)


BR = 16
NRB = HH // BR


def _conv_body(pad_hbm, w_ref, b_ref, out_ref, buf, sems):
    i = pl.program_id(0)
    r = pl.program_id(1)
    k = i * NRB + r
    slot = lax.rem(k, 2)

    def copy_in(ii, rr, s):
        return pltpu.make_async_copy(
            pad_hbm.at[ii, pl.ds(rr * BR, BR + 2)], buf.at[s], sems.at[s]
        )

    @pl.when(k == 0)
    def _():
        copy_in(i, r, slot).start()

    @pl.when(k < T * NB * NRB - 1)
    def _():
        kn = k + 1
        copy_in(kn // NRB, lax.rem(kn, NRB), 1 - slot).start()

    copy_in(i, r, slot).wait()
    x = buf[slot]
    acc = jnp.zeros((BR * WW, C), jnp.float32)
    for dy in range(3):
        xd = x[dy:dy + BR]
        for dx in range(3):
            xs = xd[:, dx:dx + WW, :].reshape(BR * WW, CH)
            acc += jnp.dot(xs, w_ref[0, dy, dx], preferred_element_type=jnp.float32)
    acc = acc + b_ref[0]
    acc = acc + x[1:1 + BR, 1:1 + WW, :C].reshape(BR * WW, C)
    out_ref[0] = acc.reshape(BR, WW, C)


def _conv(padded, W_all, b_all):
    return pl.pallas_call(
        _conv_body,
        grid=(T * NB, NRB),
        in_specs=[
            pl.BlockSpec(memory_space=pl.ANY),
            pl.BlockSpec((1, 3, 3, CH, C), lambda i, r: (i // 2, 0, 0, 0, 0)),
            pl.BlockSpec((1, 1, C), lambda i, r: (i // 2, 0, 0)),
        ],
        out_specs=pl.BlockSpec((1, BR, WW, C), lambda i, r: (i, r, 0, 0)),
        out_shape=jax.ShapeDtypeStruct((T * NB, HH, WW, C), jnp.float32),
        scratch_shapes=[
            pltpu.VMEM((2, BR + 2, WW + 2, CH), jnp.float32),
            pltpu.SemaphoreType.DMA((2,)),
        ],
    )(padded, W_all, b_all)


def _prep_w(Wx, gx):
    w = Wx.transpose(2, 3, 1, 0)
    return w * jnp.repeat(gx, C)[None, None, :, None]


def kernel(x_rgb, y_hsi, corr, rgb_gamma, hsi_gamma, Wr, br, Wh, bh):
    half = C // 2
    rgb = jnp.concatenate([x_rgb[:, half:], y_hsi[:, half:]], axis=1)
    hsi = jnp.concatenate([x_rgb[:, :half], y_hsi[:, :half]], axis=1)
    base_cl = jnp.stack([rgb, hsi]).transpose(0, 1, 3, 4, 2)

    table = (
        base_cl.reshape(T, NB, HH // P, P, WW // P, P, C)
        .transpose(0, 1, 2, 4, 3, 5, 6)
        .reshape(T * NB * LL, D)
    )
    table = jnp.pad(table, ((0, 0), (0, DP - D)))
    idx = corr[0]
    idx3 = jnp.transpose(idx[:, :, 1:4], (0, 2, 1))
    fidx = (
        jnp.arange(T * NB, dtype=jnp.int32).reshape(T, NB, 1, 1) * LL
        + idx3[None].astype(jnp.int32)
    ).reshape(ROWS_TOTAL)

    g = _sc_gather(table, fidx)[:, :D]
    g = (
        g.reshape(T, NB, 3, HH // P, WW // P, P, P, C)
        .transpose(0, 1, 3, 5, 4, 6, 2, 7)
        .reshape(T, NB, HH, WW, 3 * C)
    )
    img = jnp.concatenate([base_cl, g], axis=-1)
    padded = jnp.pad(img, ((0, 0), (0, 0), (1, 1), (1, 1), (0, 0))).reshape(
        T * NB, HH + 2, WW + 2, CH
    )

    W_all = jnp.stack([_prep_w(Wr, rgb_gamma), _prep_w(Wh, hsi_gamma)])
    b_all = jnp.stack([br, bh]).reshape(T, 1, C)

    out = _conv(padded, W_all, b_all)
    out = out.reshape(T, NB, HH, WW, C).transpose(0, 1, 4, 2, 3)
    return (out[0], out[1])

# --- scband reference (transcript-rebuilt; emitter-appended) ---
"""Pipeline reference for scband-rgb-aggregate-30116310680031 (READ-ONLY COPY).

The authoritative reference and input builder live on the scoring server;
editing this copy changes nothing except your own understanding.
"""

import jax
import jax.numpy as jnp
import numpy as np

P = 5
N_FEATS = 64
N = 2
H = 160
W = 160
L = (H // P) * (W // P)


def setup_inputs(seed: int = 0) -> dict:
    key = jax.random.key(seed)
    ks = jax.random.split(key, 6)
    x_rgb = jax.random.normal(ks[0], (N, N_FEATS, H, W), dtype=jnp.float32)
    y_hsi = jax.random.normal(ks[1], (N, N_FEATS, H, W), dtype=jnp.float32)
    corr = jax.random.randint(ks[2], (1, N, L, 4), 0, L, dtype=jnp.int32)
    rgb_gamma = jnp.ones((4,), dtype=jnp.float32)
    hsi_gamma = jnp.ones((4,), dtype=jnp.float32)
    Wr = jax.random.normal(ks[3], (N_FEATS, 4 * N_FEATS, 3, 3), dtype=jnp.float32) * 0.02
    br = jnp.zeros((N_FEATS,), dtype=jnp.float32)
    Wh = jax.random.normal(ks[4], (N_FEATS, 4 * N_FEATS, 3, 3), dtype=jnp.float32) * 0.02
    bh = jnp.zeros((N_FEATS,), dtype=jnp.float32)
    return {"x_rgb": x_rgb, "y_hsi": y_hsi, "corr": corr, "rgb_gamma": rgb_gamma, "hsi_gamma": hsi_gamma, "Wr": Wr, "br": br, "Wh": Wh, "bh": bh}


def _unfold(x, p):
    n, c, h, w = x.shape
    x = x.reshape(n, c, h // p, p, w // p, p)
    x = x.transpose(0, 2, 4, 1, 3, 5)
    return x.reshape(n, (h // p) * (w // p), c, p, p)


def _fold(x, h, w, p):
    n, l, c = x.shape[0], x.shape[1], x.shape[2]
    x = x.reshape(n, h // p, w // p, c, p, p)
    x = x.transpose(0, 3, 1, 4, 2, 5)
    return x.reshape(n, c, h, w)


def _gather(f, idx):
    # f: [N, L, C, p, p], idx: [N, L] -> gather patches along axis 1
    return jnp.take_along_axis(f, idx[:, :, None, None, None], axis=1)


def _conv3x3(x, w, b):
    y = jax.lax.conv_general_dilated(x, w, window_strides=(1, 1), padding=((1, 1), (1, 1)), dimension_numbers=("NCHW", "OIHW", "NCHW"))
    return y + b[None, :, None, None]


def reference(x_rgb, y_hsi, corr, rgb_gamma, hsi_gamma, Wr, br, Wh, bh):
    nf = x_rgb.shape[1]
    half = nf // 2
    hsi = jnp.concatenate([x_rgb[:, :half], y_hsi[:, :half]], axis=1)
    rgb = jnp.concatenate([x_rgb[:, half:nf], y_hsi[:, half:nf]], axis=1)
    idx = corr[0]
    h, w = rgb.shape[2], rgb.shape[3]
    # H, W divisible by patchsize so calc_padding yields zero padding
    fr = _unfold(rgb, P)
    fh = _unfold(hsi, P)
    pr = jnp.concatenate([
        rgb_gamma[0] * fr,
        rgb_gamma[1] * _gather(fr, idx[:, :, 1]),
        rgb_gamma[2] * _gather(fr, idx[:, :, 2]),
        rgb_gamma[3] * _gather(fr, idx[:, :, 3]),
    ], axis=2)
    ph = jnp.concatenate([
        hsi_gamma[0] * fh,
        hsi_gamma[1] * _gather(fh, idx[:, :, 1]),
        hsi_gamma[2] * _gather(fh, idx[:, :, 2]),
        hsi_gamma[3] * _gather(fh, idx[:, :, 3]),
    ], axis=2)
    img_r = _fold(pr, h, w, P)
    img_h = _fold(ph, h, w, P)
    out_r = _conv3x3(img_r, Wr, br)
    out_h = _conv3x3(img_h, Wh, bh)
    return (out_r + rgb, out_h + hsi)

if __name__ == "__main__":
    import jax
    _d = setup_inputs()
    print(jax.jit(kernel)(*tuple(_d.values())))

</pallas_src>

<mosaic_0001>
#map = affine_map<(d0, d1) -> (0, 0)>
#map1 = affine_map<(d0, d1) -> (0)>
module attributes {stable_mosaic.version = 14 : i64} {
  func.func @k(%arg0: i32, %arg1: i32, %arg2: memref<4096x1664xf32, #tpu.memory_space<hbm>>, %arg3: memref<12288xi32, #tpu.memory_space<hbm>>, %arg4: memref<12288x1664xf32, #tpu.memory_space<hbm>>, %arg5: memref<64xi32, #tpu.memory_space<vmem>>, %arg6: memref<64x1664xf32, #tpu.memory_space<vmem>>, %arg7: memref<!tpu.dma_semaphore, #tpu.memory_space<semaphore_mem>>) attributes {dimension_semantics = [#tpu.dimension_semantics<core_parallel>, #tpu.dimension_semantics<subcore_parallel>], iteration_bounds = array<i64: 2, 16>, scalar_prefetch = 0 : i64, scratch_operands = 3 : i64, tpu.core_type = #tpu.core_type<sc_vector_subcore>, window_params = [{transform_indices = #map}, {transform_indices = #map1}, {transform_indices = #map}]} {
    %mul3A = arith.constant 2 : i32
    %mul3A_0 = arith.muli %arg1, %mul3A : i32
    %add3A = arith.addi %mul3A_0, %arg0 : i32
    %mul3A_1 = arith.constant 384 : i32
    %mul3A_2 = arith.muli %add3A, %mul3A_1 : i32
    %add3A_3 = arith.constant 0 : i32
    %add3A_4 = arith.addi %mul3A_2, %add3A_3 : i32
    "tpu.region"() ({
      %run_scoped3A = tpu.sem_alloc : memref<!tpu.dma_semaphore, #tpu.memory_space<semaphore_mem>>
      %dma_start3A_49 = tpu.memref_slice %arg3[%add3A_4] : memref<12288xi32, #tpu.memory_space<hbm>> -> memref<64xi32, #tpu.memory_space<hbm>>
      %dma_start3A_50 = tpu.memref_slice %arg3[%add3A_4] : memref<12288xi32, #tpu.memory_space<hbm>> -> memref<64xi32, #tpu.memory_space<hbm>>
      tpu.enqueue_dma source(%dma_start3A_50 : memref<64xi32, #tpu.memory_space<hbm>>) target(%arg5 : memref<64xi32, #tpu.memory_space<vmem>>) target_semaphore(%run_scoped3A : memref<!tpu.dma_semaphore, #tpu.memory_space<semaphore_mem>>)
      %dma_wait3A_51 = tpu.memref_slice %arg3[%add3A_4] : memref<12288xi32, #tpu.memory_space<hbm>> -> memref<64xi32, #tpu.memory_space<hbm>>
      %dma_wait3A_52 = tpu.memref_slice %arg3[%add3A_4] : memref<12288xi32, #tpu.memory_space<hbm>> -> memref<64xi32, #tpu.memory_space<hbm>>
      tpu.wait_dma2 semaphore(%run_scoped3A : memref<!tpu.dma_semaphore, #tpu.memory_space<semaphore_mem>>) src(%dma_wait3A_52 : memref<64xi32, #tpu.memory_space<hbm>>) dst(%arg5 : memref<64xi32, #tpu.memory_space<vmem>>)
      tpu.yield
    }) : () -> ()
    %dma_start3A = arith.constant 0 : i32
    %dma_start3A_5 = arith.constant 0 : i32
    %dma_start3A_6 = tpu.memref_slice %arg2[%dma_start3A, %dma_start3A_5] : memref<4096x1664xf32, #tpu.memory_space<hbm>> -> memref<4096x1664xf32, #tpu.memory_space<hbm>>
    tpu.enqueue_indirect_dma source(%dma_start3A_6 : memref<4096x1664xf32, #tpu.memory_space<hbm>>) target(%arg6 : memref<64x1664xf32, #tpu.memory_space<vmem>>) offsets(%arg5 : memref<64xi32, #tpu.memory_space<vmem>>) semaphore(%arg7 : memref<!tpu.dma_semaphore, #tpu.memory_space<semaphore_mem>>)
    %dma_wait3A = arith.constant 0 : i32
    %dma_wait3A_7 = arith.constant 0 : i32
    %dma_wait3A_8 = tpu.memref_slice %arg2[%dma_wait3A, %dma_wait3A_7] : memref<4096x1664xf32, #tpu.memory_space<hbm>> -> memref<4096x1664xf32, #tpu.memory_space<hbm>>
    tpu.wait_indirect_dma semaphore(%arg7 : memref<!tpu.dma_semaphore, #tpu.memory_space<semaphore_mem>>) src(%dma_wait3A_8 : memref<4096x1664xf32, #tpu.memory_space<hbm>>) dst(%arg6 : memref<64x1664xf32, #tpu.memory_space<vmem>>)
    "tpu.region"() ({
      %run_scoped3A = tpu.sem_alloc : memref<!tpu.dma_semaphore, #tpu.memory_space<semaphore_mem>>
      %dma_start3A_49 = arith.constant 0 : i32
      %dma_start3A_50 = tpu.memref_slice %arg4[%add3A_4, %dma_start3A_49] : memref<12288x1664xf32, #tpu.memory_space<hbm>> -> memref<64x1664xf32, #tpu.memory_space<hbm>>
      %dma_start3A_51 = arith.constant 0 : i32
      %dma_start3A_52 = tpu.memref_slice %arg4[%add3A_4, %dma_start3A_51] : memref<12288x1664xf32, #tpu.memory_space<hbm>> -> memref<64x1664xf32, #tpu.memory_space<hbm>>
      tpu.enqueue_dma source(%arg6 : memref<64x1664xf32, #tpu.memory_space<vmem>>) target(%dma_start3A_52 : memref<64x1664xf32, #tpu.memory_space<hbm>>) target_semaphore(%run_scoped3A : memref<!tpu.dma_semaphore, #tpu.memory_space<semaphore_mem>>)
      %dma_wait3A_53 = arith.constant 0 : i32
      %dma_wait3A_54 = tpu.memref_slice %arg4[%add3A_4, %dma_wait3A_53] : memref<12288x1664xf32, #tpu.memory_space<hbm>> -> memref<64x1664xf32, #tpu.memory_space<hbm>>
      %dma_wait3A_55 = arith.constant 0 : i32
      %dma_wait3A_56 = tpu.memref_slice %arg4[%add3A_4, %dma_wait3A_55] : memref<12288x1664xf32, #tpu.memory_space<hbm>> -> memref<64x1664xf32, #tpu.memory_space<hbm>>
      tpu.wait_dma2 semaphore(%run_scoped3A : memref<!tpu.dma_semaphore, #tpu.memory_space<semaphore_mem>>) src(%arg6 : memref<64x1664xf32, #tpu.memory_space<vmem>>) dst(%dma_wait3A_56 : memref<64x1664xf32, #tpu.memory_space<hbm>>)
      tpu.yield
    }) : () -> ()
    %add3A_9 = arith.constant 64 : i32
    %add3A_10 = arith.addi %mul3A_2, %add3A_9 : i32
    "tpu.region"() ({
      %run_scoped3A = tpu.sem_alloc : memref<!tpu.dma_semaphore, #tpu.memory_space<semaphore_mem>>
      %dma_start3A_49 = tpu.memref_slice %arg3[%add3A_10] : memref<12288xi32, #tpu.memory_space<hbm>> -> memref<64xi32, #tpu.memory_space<hbm>>
      %dma_start3A_50 = tpu.memref_slice %arg3[%add3A_10] : memref<12288xi32, #tpu.memory_space<hbm>> -> memref<64xi32, #tpu.memory_space<hbm>>
      tpu.enqueue_dma source(%dma_start3A_50 : memref<64xi32, #tpu.memory_space<hbm>>) target(%arg5 : memref<64xi32, #tpu.memory_space<vmem>>) target_semaphore(%run_scoped3A : memref<!tpu.dma_semaphore, #tpu.memory_space<semaphore_mem>>)
      %dma_wait3A_51 = tpu.memref_slice %arg3[%add3A_10] : memref<12288xi32, #tpu.memory_space<hbm>> -> memref<64xi32, #tpu.memory_space<hbm>>
      %dma_wait3A_52 = tpu.memref_slice %arg3[%add3A_10] : memref<12288xi32, #tpu.memory_space<hbm>> -> memref<64xi32, #tpu.memory_space<hbm>>
      tpu.wait_dma2 semaphore(%run_scoped3A : memref<!tpu.dma_semaphore, #tpu.memory_space<semaphore_mem>>) src(%dma_wait3A_52 : memref<64xi32, #tpu.memory_space<hbm>>) dst(%arg5 : memref<64xi32, #tpu.memory_space<vmem>>)
      tpu.yield
    }) : () -> ()
    %dma_start3A_11 = arith.constant 0 : i32
    %dma_start3A_12 = arith.constant 0 : i32
    %dma_start3A_13 = tpu.memref_slice %arg2[%dma_start3A_11, %dma_start3A_12] : memref<4096x1664xf32, #tpu.memory_space<hbm>> -> memref<4096x1664xf32, #tpu.memory_space<hbm>>
    tpu.enqueue_indirect_dma source(%dma_start3A_13 : memref<4096x1664xf32, #tpu.memory_space<hbm>>) target(%arg6 : memref<64x1664xf32, #tpu.memory_space<vmem>>) offsets(%arg5 : memref<64xi32, #tpu.memory_space<vmem>>) semaphore(%arg7 : memref<!tpu.dma_semaphore, #tpu.memory_space<semaphore_mem>>)
    %dma_wait3A_14 = arith.constant 0 : i32
    %dma_wait3A_15 = arith.constant 0 : i32
    %dma_wait3A_16 = tpu.memref_slice %arg2[%dma_wait3A_14, %dma_wait3A_15] : memref<4096x1664xf32, #tpu.memory_space<hbm>> -> memref<4096x1664xf32, #tpu.memory_space<hbm>>
    tpu.wait_indirect_dma semaphore(%arg7 : memref<!tpu.dma_semaphore, #tpu.memory_space<semaphore_mem>>) src(%dma_wait3A_16 : memref<4096x1664xf32, #tpu.memory_space<hbm>>) dst(%arg6 : memref<64x1664xf32, #tpu.memory_space<vmem>>)
    "tpu.region"() ({
      %run_scoped3A = tpu.sem_alloc : memref<!tpu.dma_semaphore, #tpu.memory_space<semaphore_mem>>
      %dma_start3A_49 = arith.constant 0 : i32
      %dma_start3A_50 = tpu.memref_slice %arg4[%add3A_10, %dma_start3A_49] : memref<12288x1664xf32, #tpu.memory_space<hbm>> -> memref<64x1664xf32, #tpu.memory_space<hbm>>
      %dma_start3A_51 = arith.constant 0 : i32
      %dma_start3A_52 = tpu.memref_slice %arg4[%add3A_10, %dma_start3A_51] : memref<12288x1664xf32, #tpu.memory_space<hbm>> -> memref<64x1664xf32, #tpu.memory_space<hbm>>
      tpu.enqueue_dma source(%arg6 : memref<64x1664xf32, #tpu.memory_space<vmem>>) target(%dma_start3A_52 : memref<64x1664xf32, #tpu.memory_space<hbm>>) target_semaphore(%run_scoped3A : memref<!tpu.dma_semaphore, #tpu.memory_space<semaphore_mem>>)
      %dma_wait3A_53 = arith.constant 0 : i32
      %dma_wait3A_54 = tpu.memref_slice %arg4[%add3A_10, %dma_wait3A_53] : memref<12288x1664xf32, #tpu.memory_space<hbm>> -> memref<64x1664xf32, #tpu.memory_space<hbm>>
      %dma_wait3A_55 = arith.constant 0 : i32
      %dma_wait3A_56 = tpu.memref_slice %arg4[%add3A_10, %dma_wait3A_55] : memref<12288x1664xf32, #tpu.memory_space<hbm>> -> memref<64x1664xf32, #tpu.memory_space<hbm>>
      tpu.wait_dma2 semaphore(%run_scoped3A : memref<!tpu.dma_semaphore, #tpu.memory_space<semaphore_mem>>) src(%arg6 : memref<64x1664xf32, #tpu.memory_space<vmem>>) dst(%dma_wait3A_56 : memref<64x1664xf32, #tpu.memory_space<hbm>>)
      tpu.yield
    }) : () -> ()
    %add3A_17 = arith.constant 128 : i32
    %add3A_18 = arith.addi %mul3A_2, %add3A_17 : i32
    "tpu.region"() ({
      %run_scoped3A = tpu.sem_alloc : memref<!tpu.dma_semaphore, #tpu.memory_space<semaphore_mem>>
      %dma_start3A_49 = tpu.memref_slice %arg3[%add3A_18] : memref<12288xi32, #tpu.memory_space<hbm>> -> memref<64xi32, #tpu.memory_space<hbm>>
      %dma_start3A_50 = tpu.memref_slice %arg3[%add3A_18] : memref<12288xi32, #tpu.memory_space<hbm>> -> memref<64xi32, #tpu.memory_space<hbm>>
      tpu.enqueue_dma source(%dma_start3A_50 : memref<64xi32, #tpu.memory_space<hbm>>) target(%arg5 : memref<64xi32, #tpu.memory_space<vmem>>) target_semaphore(%run_scoped3A : memref<!tpu.dma_semaphore, #tpu.memory_space<semaphore_mem>>)
      %dma_wait3A_51 = tpu.memref_slice %arg3[%add3A_18] : memref<12288xi32, #tpu.memory_space<hbm>> -> memref<64xi32, #tpu.memory_space<hbm>>
      %dma_wait3A_52 = tpu.memref_slice %arg3[%add3A_18] : memref<12288xi32, #tpu.memory_space<hbm>> -> memref<64xi32, #tpu.memory_space<hbm>>
      tpu.wait_dma2 semaphore(%run_scoped3A : memref<!tpu.dma_semaphore, #tpu.memory_space<semaphore_mem>>) src(%dma_wait3A_52 : memref<64xi32, #tpu.memory_space<hbm>>) dst(%arg5 : memref<64xi32, #tpu.memory_space<vmem>>)
      tpu.yield
    }) : () -> ()
    %dma_start3A_19 = arith.constant 0 : i32
    %dma_start3A_20 = arith.constant 0 : i32
    %dma_start3A_21 = tpu.memref_slice %arg2[%dma_start3A_19, %dma_start3A_20] : memref<4096x1664xf32, #tpu.memory_space<hbm>> -> memref<4096x1664xf32, #tpu.memory_space<hbm>>
    tpu.enqueue_indirect_dma source(%dma_start3A_21 : memref<4096x1664xf32, #tpu.memory_space<hbm>>) target(%arg6 : memref<64x1664xf32, #tpu.memory_space<vmem>>) offsets(%arg5 : memref<64xi32, #tpu.memory_space<vmem>>) semaphore(%arg7 : memref<!tpu.dma_semaphore, #tpu.memory_space<semaphore_mem>>)
    %dma_wait3A_22 = arith.constant 0 : i32
    %dma_wait3A_23 = arith.constant 0 : i32
    %dma_wait3A_24 = tpu.memref_slice %arg2[%dma_wait3A_22, %dma_wait3A_23] : memref<4096x1664xf32, #tpu.memory_space<hbm>> -> memref<4096x1664xf32, #tpu.memory_space<hbm>>
    tpu.wait_indirect_dma semaphore(%arg7 : memref<!tpu.dma_semaphore, #tpu.memory_space<semaphore_mem>>) src(%dma_wait3A_24 : memref<4096x1664xf32, #tpu.memory_space<hbm>>) dst(%arg6 : memref<64x1664xf32, #tpu.memory_space<vmem>>)
    "tpu.region"() ({
      %run_scoped3A = tpu.sem_alloc : memref<!tpu.dma_semaphore, #tpu.memory_space<semaphore_mem>>
      %dma_start3A_49 = arith.constant 0 : i32
      %dma_start3A_50 = tpu.memref_slice %arg4[%add3A_18, %dma_start3A_49] : memref<12288x1664xf32, #tpu.memory_space<hbm>> -> memref<64x1664xf32, #tpu.memory_space<hbm>>
      %dma_start3A_51 = arith.constant 0 : i32
      %dma_start3A_52 = tpu.memref_slice %arg4[%add3A_18, %dma_start3A_51] : memref<12288x1664xf32, #tpu.memory_space<hbm>> -> memref<64x1664xf32, #tpu.memory_space<hbm>>
      tpu.enqueue_dma source(%arg6 : memref<64x1664xf32, #tpu.memory_space<vmem>>) target(%dma_start3A_52 : memref<64x1664xf32, #tpu.memory_space<hbm>>) target_semaphore(%run_scoped3A : memref<!tpu.dma_semaphore, #tpu.memory_space<semaphore_mem>>)
      %dma_wait3A_53 = arith.constant 0 : i32
      %dma_wait3A_54 = tpu.memref_slice %arg4[%add3A_18, %dma_wait3A_53] : memref<12288x1664xf32, #tpu.memory_space<hbm>> -> memref<64x1664xf32, #tpu.memory_space<hbm>>
      %dma_wait3A_55 = arith.constant 0 : i32
      %dma_wait3A_56 = tpu.memref_slice %arg4[%add3A_18, %dma_wait3A_55] : memref<12288x1664xf32, #tpu.memory_space<hbm>> -> memref<64x1664xf32, #tpu.memory_space<hbm>>
      tpu.wait_dma2 semaphore(%run_scoped3A : memref<!tpu.dma_semaphore, #tpu.memory_space<semaphore_mem>>) src(%arg6 : memref<64x1664xf32, #tpu.memory_space<vmem>>) dst(%dma_wait3A_56 : memref<64x1664xf32, #tpu.memory_space<hbm>>)
      tpu.yield
    }) : () -> ()
    %add3A_25 = arith.constant 192 : i32
    %add3A_26 = arith.addi %mul3A_2, %add3A_25 : i32
    "tpu.region"() ({
      %run_scoped3A = tpu.sem_alloc : memref<!tpu.dma_semaphore, #tpu.memory_space<semaphore_mem>>
      %dma_start3A_49 = tpu.memref_slice %arg3[%add3A_26] : memref<12288xi32, #tpu.memory_space<hbm>> -> memref<64xi32, #tpu.memory_space<hbm>>
      %dma_start3A_50 = tpu.memref_slice %arg3[%add3A_26] : memref<12288xi32, #tpu.memory_space<hbm>> -> memref<64xi32, #tpu.memory_space<hbm>>
      tpu.enqueue_dma source(%dma_start3A_50 : memref<64xi32, #tpu.memory_space<hbm>>) target(%arg5 : memref<64xi32, #tpu.memory_space<vmem>>) target_semaphore(%run_scoped3A : memref<!tpu.dma_semaphore, #tpu.memory_space<semaphore_mem>>)
      %dma_wait3A_51 = tpu.memref_slice %arg3[%add3A_26] : memref<12288xi32, #tpu.memory_space<hbm>> -> memref<64xi32, #tpu.memory_space<hbm>>
      %dma_wait3A_52 = tpu.memref_slice %arg3[%add3A_26] : memref<12288xi32, #tpu.memory_space<hbm>> -> memref<64xi32, #tpu.memory_space<hbm>>
      tpu.wait_dma2 semaphore(%run_scoped3A : memref<!tpu.dma_semaphore, #tpu.memory_space<semaphore_mem>>) src(%dma_wait3A_52 : memref<64xi32, #tpu.memory_space<hbm>>) dst(%arg5 : memref<64xi32, #tpu.memory_space<vmem>>)
      tpu.yield
    }) : () -> ()
    %dma_start3A_27 = arith.constant 0 : i32
    %dma_start3A_28 = arith.constant 0 : i32
    %dma_start3A_29 = tpu.memref_slice %arg2[%dma_start3A_27, %dma_start3A_28] : memref<4096x1664xf32, #tpu.memory_space<hbm>> -> memref<4096x1664xf32, #tpu.memory_space<hbm>>
    tpu.enqueue_indirect_dma source(%dma_start3A_29 : memref<4096x1664xf32, #tpu.memory_space<hbm>>) target(%arg6 : memref<64x1664xf32, #tpu.memory_space<vmem>>) offsets(%arg5 : memref<64xi32, #tpu.memory_space<vmem>>) semaphore(%arg7 : memref<!tpu.dma_semaphore, #tpu.memory_space<semaphore_mem>>)
    %dma_wait3A_30 = arith.constant 0 : i32
    %dma_wait3A_31 = arith.constant 0 : i32
    %dma_wait3A_32 = tpu.memref_slice %arg2[%dma_wait3A_30, %dma_wait3A_31] : memref<4096x1664xf32, #tpu.memory_space<hbm>> -> memref<4096x1664xf32, #tpu.memory_space<hbm>>
    tpu.wait_indirect_dma semaphore(%arg7 : memref<!tpu.dma_semaphore, #tpu.memory_space<semaphore_mem>>) src(%dma_wait3A_32 : memref<4096x1664xf32, #tpu.memory_space<hbm>>) dst(%arg6 : memref<64x1664xf32, #tpu.memory_space<vmem>>)
    "tpu.region"() ({
      %run_scoped3A = tpu.sem_alloc : memref<!tpu.dma_semaphore, #tpu.memory_space<semaphore_mem>>
      %dma_start3A_49 = arith.constant 0 : i32
      %dma_start3A_50 = tpu.memref_slice %arg4[%add3A_26, %dma_start3A_49] : memref<12288x1664xf32, #tpu.memory_space<hbm>> -> memref<64x1664xf32, #tpu.memory_space<hbm>>
      %dma_start3A_51 = arith.constant 0 : i32
      %dma_start3A_52 = tpu.memref_slice %arg4[%add3A_26, %dma_start3A_51] : memref<12288x1664xf32, #tpu.memory_space<hbm>> -> memref<64x1664xf32, #tpu.memory_space<hbm>>
      tpu.enqueue_dma source(%arg6 : memref<64x1664xf32, #tpu.memory_space<vmem>>) target(%dma_start3A_52 : memref<64x1664xf32, #tpu.memory_space<hbm>>) target_semaphore(%run_scoped3A : memref<!tpu.dma_semaphore, #tpu.memory_space<semaphore_mem>>)
      %dma_wait3A_53 = arith.constant 0 : i32
      %dma_wait3A_54 = tpu.memref_slice %arg4[%add3A_26, %dma_wait3A_53] : memref<12288x1664xf32, #tpu.memory_space<hbm>> -> memref<64x1664xf32, #tpu.memory_space<hbm>>
      %dma_wait3A_55 = arith.constant 0 : i32
      %dma_wait3A_56 = tpu.memref_slice %arg4[%add3A_26, %dma_wait3A_55] : memref<12288x1664xf32, #tpu.memory_space<hbm>> -> memref<64x1664xf32, #tpu.memory_space<hbm>>
      tpu.wait_dma2 semaphore(%run_scoped3A : memref<!tpu.dma_semaphore, #tpu.memory_space<semaphore_mem>>) src(%arg6 : memref<64x1664xf32, #tpu.memory_space<vmem>>) dst(%dma_wait3A_56 : memref<64x1664xf32, #tpu.memory_space<hbm>>)
      tpu.yield
    }) : () -> ()
    %add3A_33 = arith.constant 256 : i32
    %add3A_34 = arith.addi %mul3A_2, %add3A_33 : i32
    "tpu.region"() ({
      %run_scoped3A = tpu.sem_alloc : memref<!tpu.dma_semaphore, #tpu.memory_space<semaphore_mem>>
      %dma_start3A_49 = tpu.memref_slice %arg3[%add3A_34] : memref<12288xi32, #tpu.memory_space<hbm>> -> memref<64xi32, #tpu.memory_space<hbm>>
      %dma_start3A_50 = tpu.memref_slice %arg3[%add3A_34] : memref<12288xi32, #tpu.memory_space<hbm>> -> memref<64xi32, #tpu.memory_space<hbm>>
      tpu.enqueue_dma source(%dma_start3A_50 : memref<64xi32, #tpu.memory_space<hbm>>) target(%arg5 : memref<64xi32, #tpu.memory_space<vmem>>) target_semaphore(%run_scoped3A : memref<!tpu.dma_semaphore, #tpu.memory_space<semaphore_mem>>)
      %dma_wait3A_51 = tpu.memref_slice %arg3[%add3A_34] : memref<12288xi32, #tpu.memory_space<hbm>> -> memref<64xi32, #tpu.memory_space<hbm>>
      %dma_wait3A_52 = tpu.memref_slice %arg3[%add3A_34] : memref<12288xi32, #tpu.memory_space<hbm>> -> memref<64xi32, #tpu.memory_space<hbm>>
      tpu.wait_dma2 semaphore(%run_scoped3A : memref<!tpu.dma_semaphore, #tpu.memory_space<semaphore_mem>>) src(%dma_wait3A_52 : memref<64xi32, #tpu.memory_space<hbm>>) dst(%arg5 : memref<64xi32, #tpu.memory_space<vmem>>)
      tpu.yield
    }) : () -> ()
    %dma_start3A_35 = arith.constant 0 : i32
    %dma_start3A_36 = arith.constant 0 : i32
    %dma_start3A_37 = tpu.memref_slice %arg2[%dma_start3A_35, %dma_start3A_36] : memref<4096x1664xf32, #tpu.memory_space<hbm>> -> memref<4096x1664xf32, #tpu.memory_space<hbm>>
    tpu.enqueue_indirect_dma source(%dma_start3A_37 : memref<4096x1664xf32, #tpu.memory_space<hbm>>) target(%arg6 : memref<64x1664xf32, #tpu.memory_space<vmem>>) offsets(%arg5 : memref<64xi32, #tpu.memory_space<vmem>>) semaphore(%arg7 : memref<!tpu.dma_semaphore, #tpu.memory_space<semaphore_mem>>)
    %dma_wait3A_38 = arith.constant 0 : i32
    %dma_wait3A_39 = arith.constant 0 : i32
    %dma_wait3A_40 = tpu.memref_slice %arg2[%dma_wait3A_38, %dma_wait3A_39] : memref<4096x1664xf32, #tpu.memory_space<hbm>> -> memref<4096x1664xf32, #tpu.memory_space<hbm>>
    tpu.wait_indirect_dma semaphore(%arg7 : memref<!tpu.dma_semaphore, #tpu.memory_space<semaphore_mem>>) src(%dma_wait3A_40 : memref<4096x1664xf32, #tpu.memory_space<hbm>>) dst(%arg6 : memref<64x1664xf32, #tpu.memory_space<vmem>>)
    "tpu.region"() ({
      %run_scoped3A = tpu.sem_alloc : memref<!tpu.dma_semaphore, #tpu.memory_space<semaphore_mem>>
      %dma_start3A_49 = arith.constant 0 : i32
      %dma_start3A_50 = tpu.memref_slice %arg4[%add3A_34, %dma_start3A_49] : memref<12288x1664xf32, #tpu.memory_space<hbm>> -> memref<64x1664xf32, #tpu.memory_space<hbm>>
      %dma_start3A_51 = arith.constant 0 : i32
      %dma_start3A_52 = tpu.memref_slice %arg4[%add3A_34, %dma_start3A_51] : memref<12288x1664xf32, #tpu.memory_space<hbm>> -> memref<64x1664xf32, #tpu.memory_space<hbm>>
      tpu.enqueue_dma source(%arg6 : memref<64x1664xf32, #tpu.memory_space<vmem>>) target(%dma_start3A_52 : memref<64x1664xf32, #tpu.memory_space<hbm>>) target_semaphore(%run_scoped3A : memref<!tpu.dma_semaphore, #tpu.memory_space<semaphore_mem>>)
      %dma_wait3A_53 = arith.constant 0 : i32
      %dma_wait3A_54 = tpu.memref_slice %arg4[%add3A_34, %dma_wait3A_53] : memref<12288x1664xf32, #tpu.memory_space<hbm>> -> memref<64x1664xf32, #tpu.memory_space<hbm>>
      %dma_wait3A_55 = arith.constant 0 : i32
      %dma_wait3A_56 = tpu.memref_slice %arg4[%add3A_34, %dma_wait3A_55] : memref<12288x1664xf32, #tpu.memory_space<hbm>> -> memref<64x1664xf32, #tpu.memory_space<hbm>>
      tpu.wait_dma2 semaphore(%run_scoped3A : memref<!tpu.dma_semaphore, #tpu.memory_space<semaphore_mem>>) src(%arg6 : memref<64x1664xf32, #tpu.memory_space<vmem>>) dst(%dma_wait3A_56 : memref<64x1664xf32, #tpu.memory_space<hbm>>)
      tpu.yield
    }) : () -> ()
    %add3A_41 = arith.constant 320 : i32
    %add3A_42 = arith.addi %mul3A_2, %add3A_41 : i32
    "tpu.region"() ({
      %run_scoped3A = tpu.sem_alloc : memref<!tpu.dma_semaphore, #tpu.memory_space<semaphore_mem>>
      %dma_start3A_49 = tpu.memref_slice %arg3[%add3A_42] : memref<12288xi32, #tpu.memory_space<hbm>> -> memref<64xi32, #tpu.memory_space<hbm>>
      %dma_start3A_50 = tpu.memref_slice %arg3[%add3A_42] : memref<12288xi32, #tpu.memory_space<hbm>> -> memref<64xi32, #tpu.memory_space<hbm>>
      tpu.enqueue_dma source(%dma_start3A_50 : memref<64xi32, #tpu.memory_space<hbm>>) target(%arg5 : memref<64xi32, #tpu.memory_space<vmem>>) target_semaphore(%run_scoped3A : memref<!tpu.dma_semaphore, #tpu.memory_space<semaphore_mem>>)
      %dma_wait3A_51 = tpu.memref_slice %arg3[%add3A_42] : memref<12288xi32, #tpu.memory_space<hbm>> -> memref<64xi32, #tpu.memory_space<hbm>>
      %dma_wait3A_52 = tpu.memref_slice %arg3[%add3A_42] : memref<12288xi32, #tpu.memory_space<hbm>> -> memref<64xi32, #tpu.memory_space<hbm>>
      tpu.wait_dma2 semaphore(%run_scoped3A : memref<!tpu.dma_semaphore, #tpu.memory_space<semaphore_mem>>) src(%dma_wait3A_52 : memref<64xi32, #tpu.memory_space<hbm>>) dst(%arg5 : memref<64xi32, #tpu.memory_space<vmem>>)
      tpu.yield
    }) : () -> ()
    %dma_start3A_43 = arith.constant 0 : i32
    %dma_start3A_44 = arith.constant 0 : i32
    %dma_start3A_45 = tpu.memref_slice %arg2[%dma_start3A_43, %dma_start3A_44] : memref<4096x1664xf32, #tpu.memory_space<hbm>> -> memref<4096x1664xf32, #tpu.memory_space<hbm>>
    tpu.enqueue_indirect_dma source(%dma_start3A_45 : memref<4096x1664xf32, #tpu.memory_space<hbm>>) target(%arg6 : memref<64x1664xf32, #tpu.memory_space<vmem>>) offsets(%arg5 : memref<64xi32, #tpu.memory_space<vmem>>) semaphore(%arg7 : memref<!tpu.dma_semaphore, #tpu.memory_space<semaphore_mem>>)
    %dma_wait3A_46 = arith.constant 0 : i32
    %dma_wait3A_47 = arith.constant 0 : i32
    %dma_wait3A_48 = tpu.memref_slice %arg2[%dma_wait3A_46, %dma_wait3A_47] : memref<4096x1664xf32, #tpu.memory_space<hbm>> -> memref<4096x1664xf32, #tpu.memory_space<hbm>>
    tpu.wait_indirect_dma semaphore(%arg7 : memref<!tpu.dma_semaphore, #tpu.memory_space<semaphore_mem>>) src(%dma_wait3A_48 : memref<4096x1664xf32, #tpu.memory_space<hbm>>) dst(%arg6 : memref<64x1664xf32, #tpu.memory_space<vmem>>)
    "tpu.region"() ({
      %run_scoped3A = tpu.sem_alloc : memref<!tpu.dma_semaphore, #tpu.memory_space<semaphore_mem>>
      %dma_start3A_49 = arith.constant 0 : i32
      %dma_start3A_50 = tpu.memref_slice %arg4[%add3A_42, %dma_start3A_49] : memref<12288x1664xf32, #tpu.memory_space<hbm>> -> memref<64x1664xf32, #tpu.memory_space<hbm>>
      %dma_start3A_51 = arith.constant 0 : i32
      %dma_start3A_52 = tpu.memref_slice %arg4[%add3A_42, %dma_start3A_51] : memref<12288x1664xf32, #tpu.memory_space<hbm>> -> memref<64x1664xf32, #tpu.memory_space<hbm>>
      tpu.enqueue_dma source(%arg6 : memref<64x1664xf32, #tpu.memory_space<vmem>>) target(%dma_start3A_52 : memref<64x1664xf32, #tpu.memory_space<hbm>>) target_semaphore(%run_scoped3A : memref<!tpu.dma_semaphore, #tpu.memory_space<semaphore_mem>>)
      %dma_wait3A_53 = arith.constant 0 : i32
      %dma_wait3A_54 = tpu.memref_slice %arg4[%add3A_42, %dma_wait3A_53] : memref<12288x1664xf32, #tpu.memory_space<hbm>> -> memref<64x1664xf32, #tpu.memory_space<hbm>>
      %dma_wait3A_55 = arith.constant 0 : i32
      %dma_wait3A_56 = tpu.memref_slice %arg4[%add3A_42, %dma_wait3A_55] : memref<12288x1664xf32, #tpu.memory_space<hbm>> -> memref<64x1664xf32, #tpu.memory_space<hbm>>
      tpu.wait_dma2 semaphore(%run_scoped3A : memref<!tpu.dma_semaphore, #tpu.memory_space<semaphore_mem>>) src(%arg6 : memref<64x1664xf32, #tpu.memory_space<vmem>>) dst(%dma_wait3A_56 : memref<64x1664xf32, #tpu.memory_space<hbm>>)
      tpu.yield
    }) : () -> ()
    return
  }
}

module attributes {stable_mosaic.version = 14 : i64} {
  func.func @_conv_body(%arg0: i32, %arg1: i32, %arg2: memref<4x162x162x256xf32, #tpu.memory_space<any>>, %arg3: memref<1x3x3x256x64xf32, #tpu.memory_space<vmem>>, %arg4: memref<1x1x64xf32, #tpu.memory_space<vmem>>, %arg5: memref<1x16x160x64xf32, #tpu.memory_space<vmem>>, %arg6: memref<2x18x162x256xf32, #tpu.memory_space<vmem>>, %arg7: memref<2x!tpu.dma_semaphore, #tpu.memory_space<semaphore_mem>>) attributes {dimension_semantics = [#tpu.dimension_semantics<arbitrary>, #tpu.dimension_semantics<arbitrary>], iteration_bounds = array<i64: 4, 10>, scalar_prefetch = 0 : i64, scratch_operands = 2 : i64, tpu.core_type = #tpu.core_type<tc>, window_params = [{}, {transform_indices = @transform_1, window_bounds = array<i64: 1, 3, 3, 256, 64>}, {transform_indices = @transform_2, window_bounds = array<i64: 1, 1, 64>}, {transform_indices = @transform_3, window_bounds = array<i64: 1, 16, 160, 64>}]} {
    %mul3A = arith.constant 10 : i32
    %mul3A_0 = arith.muli %arg0, %mul3A : i32
    %add3A = arith.addi %mul3A_0, %arg1 : i32
    %rem3A = arith.constant 2 : i32
    %rem3A_1 = arith.remsi %add3A, %rem3A : i32
    %eq3A = arith.constant 0 : i32
    %eq3A_2 = arith.cmpi eq, %add3A, %eq3A : i32
    %convert_element_type3A = arith.extui %eq3A_2 : i1 to i32
    %cond3A = arith.constant 0 : i32
    %cond3A_3 = arith.cmpi ne, %convert_element_type3A, %cond3A : i32
    scf.if %cond3A_3 {
      %mul3A_151 = arith.constant 16 : i32
      %mul3A_152 = arith.muli %arg1, %mul3A_151 : i32
      %dma_start3A = tpu.memref_slice %arg7[%rem3A_1] : memref<2x!tpu.dma_semaphore, #tpu.memory_space<semaphore_mem>> -> memref<1x!tpu.dma_semaphore, #tpu.memory_space<semaphore_mem>>
      %dma_start3A_153 = tpu.memref_squeeze %dma_start3A : memref<1x!tpu.dma_semaphore, #tpu.memory_space<semaphore_mem>> -> memref<!tpu.dma_semaphore, #tpu.memory_space<semaphore_mem>>
      %dma_start3A_154 = arith.constant 0 : i32
      %dma_start3A_155 = arith.constant 0 : i32
      %dma_start3A_156 = arith.constant 0 : i32
      %dma_start3A_157 = tpu.memref_slice %arg6[%rem3A_1, %dma_start3A_154, %dma_start3A_155, %dma_start3A_156] : memref<2x18x162x256xf32, #tpu.memory_space<vmem>> -> memref<1x18x162x256xf32, #tpu.memory_space<vmem>>
      %dma_start3A_158 = tpu.memref_squeeze %dma_start3A_157 : memref<1x18x162x256xf32, #tpu.memory_space<vmem>> -> memref<18x162x256xf32, #tpu.memory_space<vmem>>
      %dma_start3A_159 = arith.constant 0 : i32
      %dma_start3A_160 = arith.constant 0 : i32
      %dma_start3A_161 = tpu.memref_slice %arg2[%arg0, %mul3A_152, %dma_start3A_159, %dma_start3A_160] : memref<4x162x162x256xf32, #tpu.memory_space<any>> -> memref<1x18x162x256xf32, #tpu.memory_space<any>>
      %dma_start3A_162 = tpu.memref_squeeze %dma_start3A_161 : memref<1x18x162x256xf32, #tpu.memory_space<any>> -> memref<18x162x256xf32, #tpu.memory_space<any>>
      tpu.enqueue_dma source(%dma_start3A_162 : memref<18x162x256xf32, #tpu.memory_space<any>>) target(%dma_start3A_158 : memref<18x162x256xf32, #tpu.memory_space<vmem>>) target_semaphore(%dma_start3A_153 : memref<!tpu.dma_semaphore, #tpu.memory_space<semaphore_mem>>)
    } else {
    }
    %lt3A = arith.constant 39 : i32
    %lt3A_4 = arith.cmpi slt, %add3A, %lt3A : i32
    %convert_element_type3A_5 = arith.extui %lt3A_4 : i1 to i32
    %cond3A_6 = arith.constant 0 : i32
    %cond3A_7 = arith.cmpi ne, %convert_element_type3A_5, %cond3A_6 : i32
    scf.if %cond3A_7 {
      %add3A_151 = arith.constant 1 : i32
      %add3A_152 = arith.addi %add3A, %add3A_151 : i32
      %jit3A = arith.constant 10 : i32
      %div3A = arith.divsi %add3A_152, %jit3A : i32
      %sign3A = arith.constant 0 : i32
      %sign3A_153 = arith.cmpi sgt, %add3A_152, %sign3A : i32
      %sign3A_154 = arith.extui %sign3A_153 : i1 to i32
      %sign3A_155 = arith.constant 0 : i32
      %sign3A_156 = arith.cmpi slt, %add3A_152, %sign3A_155 : i32
      %sign3A_157 = arith.extui %sign3A_156 : i1 to i32
      %sign3A_158 = arith.subi %sign3A_154, %sign3A_157 : i32
      %sign3A_159 = arith.constant 0 : i32
      %sign3A_160 = arith.cmpi sgt, %jit3A, %sign3A_159 : i32
      %sign3A_161 = arith.extui %sign3A_160 : i1 to i32
      %sign3A_162 = arith.constant 0 : i32
      %sign3A_163 = arith.cmpi slt, %jit3A, %sign3A_162 : i32
      %sign3A_164 = arith.extui %sign3A_163 : i1 to i32
      %sign3A_165 = arith.subi %sign3A_161, %sign3A_164 : i32
      %ne3A = arith.cmpi ne, %sign3A_158, %sign3A_165 : i32
      %rem3A_166 = arith.remsi %add3A_152, %jit3A : i32
      %ne3A_167 = arith.constant 0 : i32
      %ne3A_168 = arith.cmpi ne, %rem3A_166, %ne3A_167 : i32
      %and3A = arith.andi %ne3A, %ne3A_168 : i1
      %sub3A = arith.constant 1 : i32
      %sub3A_169 = arith.subi %div3A, %sub3A : i32
      %select_n3A = arith.select %and3A, %sub3A_169, %div3A : i32
      %rem3A_170 = arith.constant 10 : i32
      %rem3A_171 = arith.remsi %add3A_152, %rem3A_170 : i32
      %sub3A_172 = arith.constant 1 : i32
      %sub3A_173 = arith.subi %sub3A_172, %rem3A_1 : i32
      %mul3A_174 = arith.constant 16 : i32
      %mul3A_175 = arith.muli %rem3A_171, %mul3A_174 : i32
      %dma_start3A = tpu.memref_slice %arg7[%sub3A_173] : memref<2x!tpu.dma_semaphore, #tpu.memory_space<semaphore_mem>> -> memref<1x!tpu.dma_semaphore, #tpu.memory_space<semaphore_mem>>
      %dma_start3A_176 = tpu.memref_squeeze %dma_start3A : memref<1x!tpu.dma_semaphore, #tpu.memory_space<semaphore_mem>> -> memref<!tpu.dma_semaphore, #tpu.memory_space<semaphore_mem>>
      %dma_start3A_177 = arith.constant 0 : i32
      %dma_start3A_178 = arith.constant 0 : i32
      %dma_start3A_179 = arith.constant 0 : i32
      %dma_start3A_180 = tpu.memref_slice %arg6[%sub3A_173, %dma_start3A_177, %dma_start3A_178, %dma_start3A_179] : memref<2x18x162x256xf32, #tpu.memory_space<vmem>> -> memref<1x18x162x256xf32, #tpu.memory_space<vmem>>
      %dma_start3A_181 = tpu.memref_squeeze %dma_start3A_180 : memref<1x18x162x256xf32, #tpu.memory_space<vmem>> -> memref<18x162x256xf32, #tpu.memory_space<vmem>>
      %dma_start3A_182 = arith.constant 0 : i32
      %dma_start3A_183 = arith.constant 0 : i32
      %dma_start3A_184 = tpu.memref_slice %arg2[%select_n3A, %mul3A_175, %dma_start3A_182, %dma_start3A_183] : memref<4x162x162x256xf32, #tpu.memory_space<any>> -> memref<1x18x162x256xf32, #tpu.memory_space<any>>
      %dma_start3A_185 = tpu.memref_squeeze %dma_start3A_184 : memref<1x18x162x256xf32, #tpu.memory_space<any>> -> memref<18x162x256xf32, #tpu.memory_space<any>>
      tpu.enqueue_dma source(%dma_start3A_185 : memref<18x162x256xf32, #tpu.memory_space<any>>) target(%dma_start3A_181 : memref<18x162x256xf32, #tpu.memory_space<vmem>>) target_semaphore(%dma_start3A_176 : memref<!tpu.dma_semaphore, #tpu.memory_space<semaphore_mem>>)
    } else {
    }
    %mul3A_8 = arith.constant 16 : i32
    %mul3A_9 = arith.muli %arg1, %mul3A_8 : i32
    %dma_wait3A = tpu.memref_slice %arg7[%rem3A_1] : memref<2x!tpu.dma_semaphore, #tpu.memory_space<semaphore_mem>> -> memref<1x!tpu.dma_semaphore, #tpu.memory_space<semaphore_mem>>
    %dma_wait3A_10 = tpu.memref_squeeze %dma_wait3A : memref<1x!tpu.dma_semaphore, #tpu.memory_space<semaphore_mem>> -> memref<!tpu.dma_semaphore, #tpu.memory_space<semaphore_mem>>
    %dma_wait3A_11 = arith.constant 0 : i32
    %dma_wait3A_12 = arith.constant 0 : i32
    %dma_wait3A_13 = arith.constant 0 : i32
    %dma_wait3A_14 = tpu.memref_slice %arg6[%rem3A_1, %dma_wait3A_11, %dma_wait3A_12, %dma_wait3A_13] : memref<2x18x162x256xf32, #tpu.memory_space<vmem>> -> memref<1x18x162x256xf32, #tpu.memory_space<vmem>>
    %dma_wait3A_15 = tpu.memref_squeeze %dma_wait3A_14 : memref<1x18x162x256xf32, #tpu.memory_space<vmem>> -> memref<18x162x256xf32, #tpu.memory_space<vmem>>
    %dma_wait3A_16 = arith.constant 0 : i32
    %dma_wait3A_17 = arith.constant 0 : i32
    %dma_wait3A_18 = tpu.memref_slice %arg2[%arg0, %mul3A_9, %dma_wait3A_16, %dma_wait3A_17] : memref<4x162x162x256xf32, #tpu.memory_space<any>> -> memref<1x18x162x256xf32, #tpu.memory_space<any>>
    %dma_wait3A_19 = tpu.memref_squeeze %dma_wait3A_18 : memref<1x18x162x256xf32, #tpu.memory_space<any>> -> memref<18x162x256xf32, #tpu.memory_space<any>>
    tpu.wait_dma2 semaphore(%dma_wait3A_10 : memref<!tpu.dma_semaphore, #tpu.memory_space<semaphore_mem>>) src(%dma_wait3A_19 : memref<18x162x256xf32, #tpu.memory_space<any>>) dst(%dma_wait3A_15 : memref<18x162x256xf32, #tpu.memory_space<vmem>>)
    %get3A = arith.index_cast %rem3A_1 : i32 to index
    %get3A_20 = arith.constant 0 : index
    %get3A_21 = arith.constant 0 : index
    %get3A_22 = arith.constant 0 : index
    %get3A_23 = vector.load %arg6[%get3A, %get3A_20, %get3A_21, %get3A_22] : memref<2x18x162x256xf32, #tpu.memory_space<vmem>>, vector<1x18x162x256xf32>
    %get3A_24 = vector.shape_cast %get3A_23 : vector<1x18x162x256xf32> to vector<18x162x256xf32>
    %broadcast_in_dim3A = arith.constant 0.000000e+00 : f32
    %broadcast_in_dim3A_25 = vector.broadcast %broadcast_in_dim3A : f32 to vector<2560x64xf32>
    %slice3A = vector.extract_strided_slice %get3A_24 {offsets = [0, 0, 0], sizes = [16, 162, 256], strides = [1, 1, 1]} : vector<18x162x256xf32> to vector<16x162x256xf32>
    %slice3A_26 = vector.extract_strided_slice %slice3A {offsets = [0, 0, 0], sizes = [16, 160, 256], strides = [1, 1, 1]} : vector<16x162x256xf32> to vector<16x160x256xf32>
    %reshape3A = vector.shape_cast %slice3A_26 : vector<16x160x256xf32> to vector<2560x256xf32>
    %get3A_27 = arith.constant 0 : index
    %get3A_28 = arith.constant 0 : index
    %get3A_29 = arith.constant 0 : index
    %get3A_30 = arith.constant 0 : index
    %get3A_31 = arith.constant 0 : index
    %get3A_32 = vector.load %arg3[%get3A_27, %get3A_28, %get3A_29, %get3A_30, %get3A_31] : memref<1x3x3x256x64xf32, #tpu.memory_space<vmem>>, vector<1x1x1x256x64xf32>
    %get3A_33 = vector.shape_cast %get3A_32 : vector<1x1x1x256x64xf32> to vector<256x64xf32>
    %dot_general3A = arith.constant dense<0.000000e+00> : vector<2560x64xf32>
    %dot_general3A_34 = tpu.matmul %reshape3A, %get3A_33, %dot_general3A {dimension_numbers = #tpu.dot_dimension_numbers<[1], [0], [0], [1], [0, 0, 1, 1], [], []>, transpose_lhs_hint = false} : vector<2560x256xf32>, vector<256x64xf32>, vector<2560x64xf32> -> vector<2560x64xf32>
    %add3A_35 = arith.addf %broadcast_in_dim3A_25, %dot_general3A_34 : vector<2560x64xf32>
    %slice3A_36 = vector.extract_strided_slice %slice3A {offsets = [0, 1, 0], sizes = [16, 160, 256], strides = [1, 1, 1]} : vector<16x162x256xf32> to vector<16x160x256xf32>
    %reshape3A_37 = vector.shape_cast %slice3A_36 : vector<16x160x256xf32> to vector<2560x256xf32>
    %get3A_38 = arith.constant 0 : index
    %get3A_39 = arith.constant 0 : index
    %get3A_40 = arith.constant 1 : index
    %get3A_41 = arith.constant 0 : index
    %get3A_42 = arith.constant 0 : index
    %get3A_43 = vector.load %arg3[%get3A_38, %get3A_39, %get3A_40, %get3A_41, %get3A_42] : memref<1x3x3x256x64xf32, #tpu.memory_space<vmem>>, vector<1x1x1x256x64xf32>
    %get3A_44 = vector.shape_cast %get3A_43 : vector<1x1x1x256x64xf32> to vector<256x64xf32>
    %dot_general3A_45 = arith.constant dense<0.000000e+00> : vector<2560x64xf32>
    %dot_general3A_46 = tpu.matmul %reshape3A_37, %get3A_44, %dot_general3A_45 {dimension_numbers = #tpu.dot_dimension_numbers<[1], [0], [0], [1], [0, 0, 1, 1], [], []>, transpose_lhs_hint = false} : vector<2560x256xf32>, vector<256x64xf32>, vector<2560x64xf32> -> vector<2560x64xf32>
    %add3A_47 = arith.addf %add3A_35, %dot_general3A_46 : vector<2560x64xf32>
    %slice3A_48 = vector.extract_strided_slice %slice3A {offsets = [0, 2, 0], sizes = [16, 160, 256], strides = [1, 1, 1]} : vector<16x162x256xf32> to vector<16x160x256xf32>
    %reshape3A_49 = vector.shape_cast %slice3A_48 : vector<16x160x256xf32> to vector<2560x256xf32>
    %get3A_50 = arith.constant 0 : index
    %get3A_51 = arith.constant 0 : index
    %get3A_52 = arith.constant 2 : index
    %get3A_53 = arith.constant 0 : index
    %get3A_54 = arith.constant 0 : index
    %get3A_55 = vector.load %arg3[%get3A_50, %get3A_51, %get3A_52, %get3A_53, %get3A_54] : memref<1x3x3x256x64xf32, #tpu.memory_space<vmem>>, vector<1x1x1x256x64xf32>
    %get3A_56 = vector.shape_cast %get3A_55 : vector<1x1x1x256x64xf32> to vector<256x64xf32>
    %dot_general3A_57 = arith.constant dense<0.000000e+00> : vector<2560x64xf32>
    %dot_general3A_58 = tpu.matmul %reshape3A_49, %get3A_56, %dot_general3A_57 {dimension_numbers = #tpu.dot_dimension_numbers<[1], [0], [0], [1], [0, 0, 1, 1], [], []>, transpose_lhs_hint = false} : vector<2560x256xf32>, vector<256x64xf32>, vector<2560x64xf32> -> vector<2560x64xf32>
    %add3A_59 = arith.addf %add3A_47, %dot_general3A_58 : vector<2560x64xf32>
    %slice3A_60 = vector.extract_strided_slice %get3A_24 {offsets = [1, 0, 0], sizes = [16, 162, 256], strides = [1, 1, 1]} : vector<18x162x256xf32> to vector<16x162x256xf32>
    %slice3A_61 = vector.extract_strided_slice %slice3A_60 {offsets = [0, 0, 0], sizes = [16, 160, 256], strides = [1, 1, 1]} : vector<16x162x256xf32> to vector<16x160x256xf32>
    %reshape3A_62 = vector.shape_cast %slice3A_61 : vector<16x160x256xf32> to vector<2560x256xf32>
    %get3A_63 = arith.constant 0 : index
    %get3A_64 = arith.constant 1 : index
    %get3A_65 = arith.constant 0 : index
    %get3A_66 = arith.constant 0 : index
    %get3A_67 = arith.constant 0 : index
    %get3A_68 = vector.load %arg3[%get3A_63, %get3A_64, %get3A_65, %get3A_66, %get3A_67] : memref<1x3x3x256x64xf32, #tpu.memory_space<vmem>>, vector<1x1x1x256x64xf32>
    %get3A_69 = vector.shape_cast %get3A_68 : vector<1x1x1x256x64xf32> to vector<256x64xf32>
    %dot_general3A_70 = arith.constant dense<0.000000e+00> : vector<2560x64xf32>
    %dot_general3A_71 = tpu.matmul %reshape3A_62, %get3A_69, %dot_general3A_70 {dimension_numbers = #tpu.dot_dimension_numbers<[1], [0], [0], [1], [0, 0, 1, 1], [], []>, transpose_lhs_hint = false} : vector<2560x256xf32>, vector<256x64xf32>, vector<2560x64xf32> -> vector<2560x64xf32>
    %add3A_72 = arith.addf %add3A_59, %dot_general3A_71 : vector<2560x64xf32>
    %slice3A_73 = vector.extract_strided_slice %slice3A_60 {offsets = [0, 1, 0], sizes = [16, 160, 256], strides = [1, 1, 1]} : vector<16x162x256xf32> to vector<16x160x256xf32>
    %reshape3A_74 = vector.shape_cast %slice3A_73 : vector<16x160x256xf32> to vector<2560x256xf32>
    %get3A_75 = arith.constant 0 : index
    %get3A_76 = arith.constant 1 : index
    %get3A_77 = arith.constant 1 : index
    %get3A_78 = arith.constant 0 : index
    %get3A_79 = arith.constant 0 : index
    %get3A_80 = vector.load %arg3[%get3A_75, %get3A_76, %get3A_77, %get3A_78, %get3A_79] : memref<1x3x3x256x64xf32, #tpu.memory_space<vmem>>, vector<1x1x1x256x64xf32>
    %get3A_81 = vector.shape_cast %get3A_80 : vector<1x1x1x256x64xf32> to vector<256x64xf32>
    %dot_general3A_82 = arith.constant dense<0.000000e+00> : vector<2560x64xf32>
    %dot_general3A_83 = tpu.matmul %reshape3A_74, %get3A_81, %dot_general3A_82 {dimension_numbers = #tpu.dot_dimension_numbers<[1], [0], [0], [1], [0, 0, 1, 1], [], []>, transpose_lhs_hint = false} : vector<2560x256xf32>, vector<256x64xf32>, vector<2560x64xf32> -> vector<2560x64xf32>
    %add3A_84 = arith.addf %add3A_72, %dot_general3A_83 : vector<2560x64xf32>
    %slice3A_85 = vector.extract_strided_slice %slice3A_60 {offsets = [0, 2, 0], sizes = [16, 160, 256], strides = [1, 1, 1]} : vector<16x162x256xf32> to vector<16x160x256xf32>
    %reshape3A_86 = vector.shape_cast %slice3A_85 : vector<16x160x256xf32> to vector<2560x256xf32>
    %get3A_87 = arith.constant 0 : index
    %get3A_88 = arith.constant 1 : index
    %get3A_89 = arith.constant 2 : index
    %get3A_90 = arith.constant 0 : index
    %get3A_91 = arith.constant 0 : index
    %get3A_92 = vector.load %arg3[%get3A_87, %get3A_88, %get3A_89, %get3A_90, %get3A_91] : memref<1x3x3x256x64xf32, #tpu.memory_space<vmem>>, vector<1x1x1x256x64xf32>
    %get3A_93 = vector.shape_cast %get3A_92 : vector<1x1x1x256x64xf32> to vector<256x64xf32>
    %dot_general3A_94 = arith.constant dense<0.000000e+00> : vector<2560x64xf32>
    %dot_general3A_95 = tpu.matmul %reshape3A_86, %get3A_93, %dot_general3A_94 {dimension_numbers = #tpu.dot_dimension_numbers<[1], [0], [0], [1], [0, 0, 1, 1], [], []>, transpose_lhs_hint = false} : vector<2560x256xf32>, vector<256x64xf32>, vector<2560x64xf32> -> vector<2560x64xf32>
    %add3A_96 = arith.addf %add3A_84, %dot_general3A_95 : vector<2560x64xf32>
    %slice3A_97 = vector.extract_strided_slice %get3A_24 {offsets = [2, 0, 0], sizes = [16, 162, 256], strides = [1, 1, 1]} : vector<18x162x256xf32> to vector<16x162x256xf32>
    %slice3A_98 = vector.extract_strided_slice %slice3A_97 {offsets = [0, 0, 0], sizes = [16, 160, 256], strides = [1, 1, 1]} : vector<16x162x256xf32> to vector<16x160x256xf32>
    %reshape3A_99 = vector.shape_cast %slice3A_98 : vector<16x160x256xf32> to vector<2560x256xf32>
    %get3A_100 = arith.constant 0 : index
    %get3A_101 = arith.constant 2 : index
    %get3A_102 = arith.constant 0 : index
    %get3A_103 = arith.constant 0 : index
    %get3A_104 = arith.constant 0 : index
    %get3A_105 = vector.load %arg3[%get3A_100, %get3A_101, %get3A_102, %get3A_103, %get3A_104] : memref<1x3x3x256x64xf32, #tpu.memory_space<vmem>>, vector<1x1x1x256x64xf32>
    %get3A_106 = vector.shape_cast %get3A_105 : vector<1x1x1x256x64xf32> to vector<256x64xf32>
    %dot_general3A_107 = arith.constant dense<0.000000e+00> : vector<2560x64xf32>
    %dot_general3A_108 = tpu.matmul %reshape3A_99, %get3A_106, %dot_general3A_107 {dimension_numbers = #tpu.dot_dimension_numbers<[1], [0], [0], [1], [0, 0, 1, 1], [], []>, transpose_lhs_hint = false} : vector<2560x256xf32>, vector<256x64xf32>, vector<2560x64xf32> -> vector<2560x64xf32>
    %add3A_109 = arith.addf %add3A_96, %dot_general3A_108 : vector<2560x64xf32>
    %slice3A_110 = vector.extract_strided_slice %slice3A_97 {offsets = [0, 1, 0], sizes = [16, 160, 256], strides = [1, 1, 1]} : vector<16x162x256xf32> to vector<16x160x256xf32>
    %reshape3A_111 = vector.shape_cast %slice3A_110 : vector<16x160x256xf32> to vector<2560x256xf32>
    %get3A_112 = arith.constant 0 : index
    %get3A_113 = arith.constant 2 : index
    %get3A_114 = arith.constant 1 : index
    %get3A_115 = arith.constant 0 : index
    %get3A_116 = arith.constant 0 : index
    %get3A_117 = vector.load %arg3[%get3A_112, %get3A_113, %get3A_114, %get3A_115, %get3A_116] : memref<1x3x3x256x64xf32, #tpu.memory_space<vmem>>, vector<1x1x1x256x64xf32>
    %get3A_118 = vector.shape_cast %get3A_117 : vector<1x1x1x256x64xf32> to vector<256x64xf32>
    %dot_general3A_119 = arith.constant dense<0.000000e+00> : vector<2560x64xf32>
    %dot_general3A_120 = tpu.matmul %reshape3A_111, %get3A_118, %dot_general3A_119 {dimension_numbers = #tpu.dot_dimension_numbers<[1], [0], [0], [1], [0, 0, 1, 1], [], []>, transpose_lhs_hint = false} : vector<2560x256xf32>, vector<256x64xf32>, vector<2560x64xf32> -> vector<2560x64xf32>
    %add3A_121 = arith.addf %add3A_109, %dot_general3A_120 : vector<2560x64xf32>
    %slice3A_122 = vector.extract_strided_slice %slice3A_97 {offsets = [0, 2, 0], sizes = [16, 160, 256], strides = [1, 1, 1]} : vector<16x162x256xf32> to vector<16x160x256xf32>
    %reshape3A_123 = vector.shape_cast %slice3A_122 : vector<16x160x256xf32> to vector<2560x256xf32>
    %get3A_124 = arith.constant 0 : index
    %get3A_125 = arith.constant 2 : index
    %get3A_126 = arith.constant 2 : index
    %get3A_127 = arith.constant 0 : index
    %get3A_128 = arith.constant 0 : index
    %get3A_129 = vector.load %arg3[%get3A_124, %get3A_125, %get3A_126, %get3A_127, %get3A_128] : memref<1x3x3x256x64xf32, #tpu.memory_space<vmem>>, vector<1x1x1x256x64xf32>
    %get3A_130 = vector.shape_cast %get3A_129 : vector<1x1x1x256x64xf32> to vector<256x64xf32>
    %dot_general3A_131 = arith.constant dense<0.000000e+00> : vector<2560x64xf32>
    %dot_general3A_132 = tpu.matmul %reshape3A_123, %get3A_130, %dot_general3A_131 {dimension_numbers = #tpu.dot_dimension_numbers<[1], [0], [0], [1], [0, 0, 1, 1], [], []>, transpose_lhs_hint = false} : vector<2560x256xf32>, vector<256x64xf32>, vector<2560x64xf32> -> vector<2560x64xf32>
    %add3A_133 = arith.addf %add3A_121, %dot_general3A_132 : vector<2560x64xf32>
    %get3A_134 = arith.constant 0 : index
    %get3A_135 = arith.constant 0 : index
    %get3A_136 = arith.constant 0 : index
    %get3A_137 = vector.load %arg4[%get3A_134, %get3A_135, %get3A_136] : memref<1x1x64xf32, #tpu.memory_space<vmem>>, vector<1x1x64xf32>
    %get3A_138 = vector.shape_cast %get3A_137 : vector<1x1x64xf32> to vector<1x64xf32>
    %add3A_139 = vector.broadcast %get3A_138 : vector<1x64xf32> to vector<2560x64xf32>
    %add3A_140 = arith.addf %add3A_133, %add3A_139 : vector<2560x64xf32>
    %slice3A_141 = vector.extract_strided_slice %get3A_24 {offsets = [1, 1, 0], sizes = [16, 160, 64], strides = [1, 1, 1]} : vector<18x162x256xf32> to vector<16x160x64xf32>
    %reshape3A_142 = vector.shape_cast %slice3A_141 : vector<16x160x64xf32> to vector<2560x64xf32>
    %add3A_143 = arith.addf %add3A_140, %reshape3A_142 : vector<2560x64xf32>
    %reshape3A_144 = vector.shape_cast %add3A_143 : vector<2560x64xf32> to vector<16x160x64xf32>
    %swap3A = arith.constant 0 : index
    %swap3A_145 = arith.constant 0 : index
    %swap3A_146 = arith.constant 0 : index
    %swap3A_147 = arith.constant 0 : index
    %swap3A_148 = vector.load %arg5[%swap3A, %swap3A_145, %swap3A_146, %swap3A_147] : memref<1x16x160x64xf32, #tpu.memory_space<vmem>>, vector<1x16x160x64xf32>
    %swap3A_149 = vector.shape_cast %swap3A_148 : vector<1x16x160x64xf32> to vector<16x160x64xf32>
    %swap3A_150 = vector.shape_cast %reshape3A_144 : vector<16x160x64xf32> to vector<1x16x160x64xf32>
    tpu.vector_store %arg5[%swap3A, %swap3A_145, %swap3A_146, %swap3A_147], %swap3A_150 {strides = array<i32>} : memref<1x16x160x64xf32, #tpu.memory_space<vmem>>, vector<1x16x160x64xf32>,
    return
  }
  func.func @transform_1(%arg0: i32, %arg1: i32) -> (i32, i32, i32, i32, i32) {
    %jit3A = arith.constant 2 : i32
    %div3A = arith.divsi %arg0, %jit3A : i32
    %sign3A = arith.constant 0 : i32
    %sign3A_0 = arith.cmpi sgt, %arg0, %sign3A : i32
    %sign3A_1 = arith.extui %sign3A_0 : i1 to i32
    %sign3A_2 = arith.constant 0 : i32
    %sign3A_3 = arith.cmpi slt, %arg0, %sign3A_2 : i32
    %sign3A_4 = arith.extui %sign3A_3 : i1 to i32
    %sign3A_5 = arith.subi %sign3A_1, %sign3A_4 : i32
    %sign3A_6 = arith.constant 0 : i32
    %sign3A_7 = arith.cmpi sgt, %jit3A, %sign3A_6 : i32
    %sign3A_8 = arith.extui %sign3A_7 : i1 to i32
    %sign3A_9 = arith.constant 0 : i32
    %sign3A_10 = arith.cmpi slt, %jit3A, %sign3A_9 : i32
    %sign3A_11 = arith.extui %sign3A_10 : i1 to i32
    %sign3A_12 = arith.subi %sign3A_8, %sign3A_11 : i32
    %ne3A = arith.cmpi ne, %sign3A_5, %sign3A_12 : i32
    %rem3A = arith.remsi %arg0, %jit3A : i32
    %ne3A_13 = arith.constant 0 : i32
    %ne3A_14 = arith.cmpi ne, %rem3A, %ne3A_13 : i32
    %and3A = arith.andi %ne3A, %ne3A_14 : i1
    %sub3A = arith.constant 1 : i32
    %sub3A_15 = arith.subi %div3A, %sub3A : i32
    %select_n3A = arith.select %and3A, %sub3A_15, %div3A : i32
    %c0_i32 = arith.constant 0 : i32
    %c0_i32_16 = arith.constant 0 : i32
    %c0_i32_17 = arith.constant 0 : i32
    %c0_i32_18 = arith.constant 0 : i32
    %c0_i32_19 = arith.constant 0 : i32
    return %select_n3A, %c0_i32, %c0_i32_16, %c0_i32_17, %c0_i32_18 : i32, i32, i32, i32, i32
  }
  func.func @transform_2(%arg0: i32, %arg1: i32) -> (i32, i32, i32) {
    %jit3A = arith.constant 2 : i32
    %div3A = arith.divsi %arg0, %jit3A : i32
    %sign3A = arith.constant 0 : i32
    %sign3A_0 = arith.cmpi sgt, %arg0, %sign3A : i32
    %sign3A_1 = arith.extui %sign3A_0 : i1 to i32
    %sign3A_2 = arith.constant 0 : i32
    %sign3A_3 = arith.cmpi slt, %arg0, %sign3A_2 : i32
    %sign3A_4 = arith.extui %sign3A_3 : i1 to i32
    %sign3A_5 = arith.subi %sign3A_1, %sign3A_4 : i32
    %sign3A_6 = arith.constant 0 : i32
    %sign3A_7 = arith.cmpi sgt, %jit3A, %sign3A_6 : i32
    %sign3A_8 = arith.extui %sign3A_7 : i1 to i32
    %sign3A_9 = arith.constant 0 : i32
    %sign3A_10 = arith.cmpi slt, %jit3A, %sign3A_9 : i32
    %sign3A_11 = arith.extui %sign3A_10 : i1 to i32
    %sign3A_12 = arith.subi %sign3A_8, %sign3A_11 : i32
    %ne3A = arith.cmpi ne, %sign3A_5, %sign3A_12 : i32
    %rem3A = arith.remsi %arg0, %jit3A : i32
    %ne3A_13 = arith.constant 0 : i32
    %ne3A_14 = arith.cmpi ne, %rem3A, %ne3A_13 : i32
    %and3A = arith.andi %ne3A, %ne3A_14 : i1
    %sub3A = arith.constant 1 : i32
    %sub3A_15 = arith.subi %div3A, %sub3A : i32
    %select_n3A = arith.select %and3A, %sub3A_15, %div3A : i32
    %c0_i32 = arith.constant 0 : i32
    %c0_i32_16 = arith.constant 0 : i32
    %c0_i32_17 = arith.constant 0 : i32
    return %select_n3A, %c0_i32, %c0_i32_16 : i32, i32, i32
  }
  func.func @transform_3(%arg0: i32, %arg1: i32) -> (i32, i32, i32, i32) {
    %c0_i32 = arith.constant 0 : i32
    %c0_i32_0 = arith.constant 0 : i32
    %c0_i32_1 = arith.constant 0 : i32
    return %arg0, %arg1, %c0_i32, %c0_i32_0 : i32, i32, i32, i32
  }
}

</mosaic_0001>

<sc_bundles>
// kernel: kernel.4.cloned.1.call-start
scs
__scs_entry_jumppad:
0x0: {  	(pc) =	sbr.rel $0x88, $3  }
0x1: {  	(tag) =	ssettag $0x0;
	lr =	simm.s32 $0x1  }
0x2: {  	[smem:$0x3F98] =	sst lr;
	_ =	strace $0xD0000000  }
0x3: {  	_ = 	snop  }
0x4: {  	_ = 	snop  }
0x5: {  	_ = 	snop  }
0x6: {  	_ = 	snop  }
0x7: {  	_ = 	snop  }
__scs_overlays_trampoline_lowered:
0x8: {  	[smem:$0x3FA7] =	sst s0  }
0x9: {  	[smem:$0x3FA8] =	sst s1  }
0xa: {  	[smem:$0x3FA9] =	sst s2  }
0xb: {  	[smem:$0x3FAA] =	sst s3  }
0xc: {  	[smem:$0x3FAB] =	sst s4  }
0xd: {  	[smem:$0x3FAC] =	sst s5  }
0xe: {  	[smem:$0x3FAD] =	sst s6  }
0xf: {  	[smem:$0x3FAE] =	sst s7  }
0x10: {  	[smem:$0x3FAF] =	sst s8  }
0x11: {  	[smem:$0x3FB0] =	sst s9;
	s0 =	simm.s32 @!p0 $0x0  }
0x12: {  	s1 =	sld [smem:$0x3F96];
	s0 =	simm.s32 @p0 $0x1  }
0x13: {  	[smem:$0x3FB1] =	sst s0;
	s0 =	simm.s32 @!p1 $0x0  }
0x14: {  	s2 =	sld [smem:$0x3F95];
	s0 =	simm.s32 @p1 $0x1  }
0x15: {  	[smem:$0x3FB2] =	sst s0;
	s0 =	simm.s32 @!p2 $0x0  }
0x16: {  	s3 =	sld [smem:$0x3FDB];
	s0 =	simm.s32 @p2 $0x1  }
0x17: {  	s4 =	simm.s32 $0x1BF5;
	[smem:$0x3FB4] =	sst s0  }
0x18: {  	s0 =	sld [smem:$0x3F97];
	_ =	swait.ge [sflag:s4], $0x0  }
0x19: {  	s7 =	sld [smem:$0x3F98]  }
0x1a: {  	s8 =	sadd.s32 $0xFFFFE003, lr  }
0x1b: {  	s9 =	sadd.s32 $0xFFFFFEF7, lr;
	s5 =	simm.s32 $0xFFFFFFFF;
	p2 =	slt.u32 s8, $0xFFFFF086  }
0x1c: {  	p1 =	slt.u32 s9, $0xF7A;
	s5 =	simm.s32 @!p2 $0x0  }
0x1d: {  	s5 =	simm.s32 @p1 $0x1;
	p0 =	seq.s32 s7, s2  }
0x1e: {  	s7 =	smul.u32 @!p0 $0xF7A, s2;
	p2 =	seq.s32 @!p0 s5, $0x0  }
0x1f: {  	s9 =	smul.u32 $0xF7A, s1;
	s8 =	simm.s32 @!p0 $0x1BF5;
	p2 =	por !p2, p0  }
0x20: {  	[sflag:s8] =	ssyncset.s32 @!p0 $0xFFFFF086;
	s6 =	sadd.s32 @!p0 s3, s7;
	s7 =	simm.s32 @!p0 $0x108  }
0x21: {  	s3 =	sadd.s32 s3, s9;
	s6 =	sadd.s32 @!p0 $0x88, s6;
	s7 =	simm.s32 @p2 $0x1082  }
0x22: {  	[simem:s7], [sflag:s8] =	dma.local @!p0 [hbm:s6], $0xF7A  }
0x23: {  	s9 =	sor.u32 $0xD0000000, s2;
	s6 =	simm.s32 $0x108;
	_ =	swait.ge @!p0 [sflag:s8], $0x0  }
0x24: {  	s3 =	sadd.s32 $0x88, s3;
	s6 =	simm.s32 @!p1 $0x1082;
	[sflag:s4] =	ssyncset.s32 $0xFFFFF086  }
0x25: {  	[simem:s6], [sflag:s4] =	dma.local [hbm:s3], $0xF7A  }
0x26: {  	[smem:$0x3F98] =	sst s1;
	(tag) =	ssettag s2;
	_ =	strace s9  }
0x27: {  	s1 =	sld [smem:$0x3FA8]  }
0x28: {  	s2 =	sld [smem:$0x3FA9]  }
0x29: {  	s4 =	sld [smem:$0x3FAB]  }
0x2a: {  	p0 =	seq.s32 s5, $0x0;
	s5 =	sld [smem:$0x3FAC]  }
0x2b: {  	s6 =	sld [smem:$0x3FAD]  }
0x2c: {  	s7 =	sld [smem:$0x3FAE]  }
0x2d: {  	s3 =	simm.s32 $0x108;
	s8 =	sld [smem:$0x3FAF]  }
0x2e: {  	s3 =	simm.s32 @!p0 $0x1082;
	s9 =	sld [smem:$0x3FB0]  }
0x2f: {  	lr =	sadd.s32 s0, s3;
	s0 =	sld [smem:$0x3FA7]  }
0x30: {  	s3 =	sld [smem:$0x3FAA]  }
0x31: {  	[smem:$0x3FB3] =	sst s10  }
0x32: {  	s10 =	sld [smem:$0x3FB1];
	_ =	sdelay $0x3  }
0x33: {  	p0 =	seq.s32 s10, $0x1;
	s10 =	sld [smem:$0x3FB3];
	_ =	sdelay $0x3  }
0x34: {  	[smem:$0x3FB3] =	sst s10  }
0x35: {  	s10 =	sld [smem:$0x3FB2];
	_ =	sdelay $0x3  }
0x36: {  	p1 =	seq.s32 s10, $0x1;
	s10 =	sld [smem:$0x3FB3];
	_ =	sdelay $0x3  }
0x37: {  	[smem:$0x3FB3] =	sst s10  }
0x38: {  	s10 =	sld [smem:$0x3FB4]  }
0x39: {  	_ = 	snop;
	(pc) =	sbr.ind lr, $3  }
0x3a: {  	_ = 	snop  }
0x3b: {  	_ = 	snop  }
0x3c: {  	p2 =	seq.s32 s10, $0x1;
	s10 =	sld [smem:$0x3FB3]  }
0x3d: {  	_ =	shalt  }
0x3e: {  	_ =	shalt  }
0x3f: {  	_ =	shalt  }
0x40: {  	_ =	shalt  }
0x41: {  	_ =	shalt  }
0x42: {  	_ =	shalt  }
0x43: {  	_ =	shalt  }
0x44: {  	_ =	shalt  }
0x45: {  	_ =	shalt  }
0x46: {  	_ =	shalt  }
0x47: {  	_ =	shalt  }
0x48: {  	_ =	shalt  }
0x49: {  	_ =	shalt  }
0x4a: {  	_ =	shalt  }
0x4b: {  	_ =	shalt  }
0x4c: {  	_ =	shalt  }
0x4d: {  	_ =	shalt  }
0x4e: {  	_ =	shalt  }
0x4f: {  	_ =	shalt  }
0x50: {  	_ =	shalt  }
0x51: {  	_ =	shalt  }
0x52: {  	_ =	shalt  }
0x53: {  	_ =	shalt  }
0x54: {  	_ =	shalt  }
0x55: {  	_ =	shalt  }
0x56: {  	_ =	shalt  }
0x57: {  	_ =	shalt  }
0x58: {  	_ =	shalt  }
0x59: {  	_ =	shalt  }
0x5a: {  	_ =	shalt  }
0x5b: {  	_ =	shalt  }
0x5c: {  	_ =	shalt  }
0x5d: {  	_ =	shalt  }
0x5e: {  	_ =	shalt  }
0x5f: {  	_ =	shalt  }
0x60: {  	_ =	shalt  }
0x61: {  	_ =	shalt  }
0x62: {  	_ =	shalt  }
0x63: {  	_ =	shalt  }
0x64: {  	_ =	shalt  }
0x65: {  	_ =	shalt  }
0x66: {  	_ =	shalt  }
0x67: {  	_ =	shalt  }
0x68: {  	_ =	shalt  }
0x69: {  	_ =	shalt  }
0x6a: {  	_ =	shalt  }
0x6b: {  	_ =	shalt  }
0x6c: {  	_ =	shalt  }
0x6d: {  	_ =	shalt  }
0x6e: {  	_ =	shalt  }
0x6f: {  	_ =	shalt  }
0x70: {  	_ =	shalt  }
0x71: {  	_ =	shalt  }
0x72: {  	_ =	shalt  }
0x73: {  	_ =	shalt  }
0x74: {  	_ =	shalt  }
0x75: {  	_ =	shalt  }
0x76: {  	_ =	shalt  }
0x77: {  	_ =	shalt  }
0x78: {  	_ =	shalt  }
0x79: {  	_ =	shalt  }
0x7a: {  	_ =	shalt  }
0x7b: {  	_ =	shalt  }
0x7c: {  	_ =	shalt  }
0x7d: {  	_ =	shalt  }
0x7e: {  	_ =	shalt  }
0x7f: {  	_ =	shalt  }
0x80: {  	_ =	shalt  }
0x81: {  	_ =	shalt  }
0x82: {  	_ =	shalt  }
0x83: {  	_ =	shalt  }
0x84: {  	_ =	shalt  }
0x85: {  	_ =	shalt  }
0x86: {  	_ =	shalt  }
0x87: {  	_ =	shalt  }
.Lfunc_end0:
.L_simem_size_0:
called_computation.1_lowered:
.L_overlay_start_0:
0x88: {  	s2 =	sld [smem:$0x3FD9]  }
0x89: {  	s3 =	sld [smem:$0x3FFE];
	_ =	sdelay $0x1  }
0x8a: {  	s1 =	srdreg.scid  }
0x8b: {  	s0 =	sand.u32 $0x1, s1  }
0x8c: {  	s14 =	sshll.u32 s0, $0xA;
	s2 =	sadd.s32 s3, s2  }
0x8d: {  	s2 =	sadd.s32 s2, s14  }
0x8e: {  	[smem:$0x3FBF] =	sst s2  }
0x8f: {  	_ = 	snop  }
0x90: {  	s2 =	sld [smem:$0x3FD0];
	_ =	sdelay $0x2  }
0x91: {  	s15 =	simm.s32 $0xA;
	s4 =	simm.s32 $0x10  }
0x92: {  	[smem:s4], [sflag:s15] =	dma.local [hbm:s2], $0x1  }
0x93: {  	_ =	swait.eq [sflag:s15], $0x1  }
0x94: {  	[sflag:s15] =	ssyncset.done $0x0  }
0x95: {  	[sflag:s15] =	ssyncadd.s32 $0xFFFFFFFF  }
0x96: {  	s16 =	sld [smem:$0x10];
	(tm) =	ssettm $0x1  }
0x97: {  	s17 =	sld [smem:$0x3FFB];
	_ =	sdelay $0x3  }
0x98: {  	_ =	strace s17  }
0x99: {  	s3 =	sld [smem:$0x3FFC];
	_ =	sdelay $0x3  }
0x9a: {  	_ =	strace s3  }
0x9b: {  	s3 =	sld [smem:$0x3FFD];
	_ =	sdelay $0x3  }
0x9c: {  	_ =	strace s3  }
0x9d: {  	_ =	strace $0x8FFFFFFF  }
0x9e: {  	s18 =	sld [smem:$0x3FDB];
	_ =	sdelay $0x1  }
0x9f: {  	s19 =	simm.s32 $_scs_section_size  }
0xa0: {  	s5 =	simm.s32 $_size__tile_overlayer_lowered;
	s6 =	simm.s32 $_tile_overlayer_lowered  }
0xa1: {  	s22 =	simm.s32 $0x1BFF;
	s21 =	sshll.u32 s6, $0x1;
	s3 =	sadd.s32 s19, s18  }
0xa2: {  	s7 =	simm.s32 $0x0;
	s20 =	sshll.u32 s5, $0x1;
	s5 =	sadd.s32 s21, s3  }
0xa3: {  	[timem:s7], [sflag:s22] =	dma.local [hbm:s5], s20  }
0xa4: {  	_ =	swait.ge [sflag:s22], s20  }
0xa5: {  	s4 =	ssub.s32 $0x0, s20;
	[sflag:s22] =	ssyncset.done $0x0  }
0xa6: {  	[sflag:s22] =	ssyncadd.s32 s4;
	_ =	sdelay $0x1  }
0xa7: {  	s23 =	simm.s32 $0x1B8B  }
0xa8: {  	_ =	swait.ge [sflag:s23], $0x1  }
0xa9: {  	[sflag:s23] =	ssyncset.done $0x0  }
0xaa: {  	s25 =	simm.s32 $0x1B8E;
	s24 =	sld [smem:$0x3FFE];
	[sflag:s23] =	ssyncadd.s32 $0xFFFFFFFF  }
0xab: {  	s26 =	simm.s32 $execute0_lowered;
	[smem:$0x3FD2] =	sst s25  }
0xac: {  	s5 =	sshll.u32 s26, $0x1;
	_ =	strace $0x80000046;
	[dreg:$0x1] =	wrdreg $0xFFFFFFFF  }
0xad: {  	s28 =	simm.s32 $_size_execute0_lowered;
	s3 =	sadd.s32 s3, s5;
	[dreg:$0x0] =	wrdreg $0x0  }
0xae: {  	s5 =	sshll.u32 s28, $0x1;
	[dreg:$0x2] =	wrdreg s3  }
0xaf: {  	[dreg:$0x3] =	wrdreg s5  }
0xb0: {  	[dreg:$0x4] =	wrdreg $0xC0  }
0xb1: {  	_ =	task [dreg:s7], $0x5FFFF  }
0xb2: {  	[dreg:$0x1] =	wrdreg $0xFFFFFFFF  }
0xb3: {  	[dreg:$0x0] =	wrdreg $0x60  }
0xb4: {  	[dreg:$0x2] =	wrdreg s24  }
0xb5: {  	[dreg:$0x3] =	wrdreg s16  }
0xb6: {  	[dreg:$0x4] =	wrdreg $0x9  }
0xb7: {  	_ =	task.clear_ibuf [dreg:s7], $0x5FFFF;
	_ =	strace $0x90000046  }
0xb8: {  	s29 =	simm.s32 $0x9;
	_ =	strace $0x80000048  }
0xb9: {  	_ =	swait.ge [sflag:s29], $0x1  }
0xba: {  	[sflag:s29] =	ssyncadd.s32 $0xFFFFFFFF  }
0xbb: {  	_ =	strace $0x90000048  }
0xbc: {  	_ =	sfence  }
0xbd: {  	s30 =	sld [smem:$0x0];
	_ =	sdelay $0x2  }
0xbe: {  	s31 =	sshll.u32 s1, $0xD;
	s1 =	sshrl.u32 s1, $0x2  }
0xbf: {  	s3 =	sand.u32 $0x4000, s31;
	s1 =	sadd.s32 s1, s30  }
0xc0: {  	s0 =	sor.u32 s3, s0;
	s1 =	sshll.u32 s1, $0x11  }
0xc1: {  	s0 =	sor.u32 s1, s0  }
0xc2: {  	s0 =	sadd.s32 $0x8F2B, s0  }
0xc3: {  	[sflag:s0] =	ssyncadd.remote.s32 $0x1  }
0xc4: {  	_ =	sfence.sel $0xFFFF  }
0xc5: {  	[dreg:$0x0] =	wrdreg $0xFFFFFFFF;
	(pc) =	sbr.abs _section_cstart, $3  }
0xc6: {  	[dreg:$0x1] =	wrdreg $0xFFFFFFFF  }
0xc7: {  	_ =	task.clear_ibuf [dreg:s7], $0x2FFFF;
	_ =	strace $0x9FFFFFFF  }
0xc8: {  	(tm) =	ssettm $0x7FFFFFFF  }
0xc9: {  	_ =	shalt  }
tec
execute0_lowered:
.L_overlay_start_1:
0x0: {  	(tag) =	ssettag $0x1  }
0x1: {  	s0 =	srdreg.scid;
	s1 =	stileid.u32  }
0x2: {  	s0 =	sand.u32 $0x1, s0;
	s1 =	sshll.u32 s1, $0x1  }
0x3: {  	s1 =	sor.u32 s0, s1  }
0x4: {  	s4 =	rddreg [dreg:$0x0];
	s1 =	smul.u32 $0x180, s1  }
0x5: {  	s5 =	rddreg [dreg:$0x1];
	s2 =	simm.s32 $0x0  }
0x6: {  	s13 =	simm.s32 $0x2;
	s31 =	simm.s32 $0x1;
	s1 =	sshrl.u32 s1, $0x3  }
0x7: {  	[smem:$0x7FF] =	sst s2;
	s3 =	sadd.s32 $0x192800, s4;
	s6 =	sor.u32 $0x8, s1  }
0x8: {  	s7 =	sadd.s32 $0x262800, s4;
	s8 =	smul.u32 $0x680, s6;
	s6 =	sadd.s32 s5, s6  }
0x9: {  	_ =	strace $0x80000047;
	s5 =	sadd.s32 s5, s1;
	[dreg:$0x3] =	wrdreg s6  }
0xa: {  	s11 =	sadd.s32 $0x192E00, s4;
	s22 =	sadd.s32 $0x10, s5;
	[dreg:$0xd] =	wrdreg s5  }
0xb: {  	s0 =	ssub.s32 $0x2, s0;
	s24 =	sadd.s32 $0x18, s5;
	[dreg:$0x5] =	wrdreg s22  }
0xc: {  	s10 =	smul.u32 $0x680, s1;
	s26 =	sadd.s32 $0x20, s5;
	[dreg:$0x7] =	wrdreg s24  }
0xd: {  	s9 =	sshrl.u32 s0, $0x1;
	s29 =	sadd.s32 $0x28, s5;
	[dreg:$0x9] =	wrdreg s26  }
0xe: {  	s0 =	ssub.s32 s0, s9;
	s12 =	sadd.s32 s7, s10;
	[dreg:$0xb] =	wrdreg s29  }
0xf: {  	s9 =	sadd.s32 $0x192C00, s4;
	s21 =	sadd.s32 s7, s8;
	[dreg:$0xe] =	wrdreg s12  }
0x10: {  	s6 =	sadd.s32 $0x192900, s4;
	s23 =	sadd.s32 $0x6800, s12;
	[dreg:$0x4] =	wrdreg s21  }
0x11: {  	s10 =	sadd.s32 $0x192D00, s4;
	s25 =	sadd.s32 $0x9C00, s12;
	[dreg:$0x6] =	wrdreg s23  }
0x12: {  	v2 =	vlaneseq.u32;
	s7 =	sadd.s32 $0x192A00, s4;
	s28 =	sadd.s32 $0xD000, s12;
	[dreg:$0x8] =	wrdreg s25  }
0x13: {  	vm0 =	vmmov $0xffff;
	vm1 =	vmmov $0xff;
	v1 =	vshrl.u32 v2, $0x3;
	s8 =	sadd.s32 $0x192B00, s4;
	s30 =	sadd.s32 $0x10400, s12;
	[dreg:$0xa] =	wrdreg s28  }
0x14: {  	v0 =	vand.u32 $0x7, v2;
	v2 =	vor.u32 $0x8, v2;
	v1 =	vmul.u32 $0x8, v1;
	s12 =	smax.u32 s0, $0x1;
	[dreg:$0xc] =	wrdreg s30;
	s25 =	simm.s32 $0x80  }
.LBB2_1:
0x15: {  	s1 =	rddreg [dreg:$0xd]  }
0x16: {  	[tilespmem:s2], [sflag:$0x2] =	stream.linear.gather [hbm4b:s1+s2], $0x40, $0x38;
	[tilespmem:$0x1A080] =	vst v63  }
0x17: {  	_ =	swait.ge [sflag:s13], $0x40  }
0x18: {  	[sflag:s13] =	ssyncset.done $0x0  }
0x19: {  	[sflag:s13] =	ssyncadd.s32 $0xFFFFFFC0  }
0x1a: {  	v3 =	vld [tilespmem:$0x0];
	_ =	sdelay $0x4  }
0x1b: {  	v4 =	vshrl.u32 v3, $0x3  }
0x1c: {  	v4 =	vmul.u32 $0x68, v4  }
0x1d: {  	v3 =	vand.u32 $0x7, v3  }
0x1e: {  	v3 =	vor.u32 v3, v4  }
0x1f: {  	v4 =	vperm.xlane v3, v0;
	_ =	sdelay $0x1  }
0x20: {  	v4 =	vadd.s32 v1, v4;
	_ =	sdelay $0x4  }
0x21: {  	[tilespmem:s25], [sflag:$0x1] =	stream.indirect_vreg.gather [hbm4b:s3+s2], $0x80, v4, vm0, $0xb8;
	[tilespmem:$0x1A080] =	vst v63  }
0x22: {  	s0 =	simm.s32 $0x880  }
0x23: {  	[tilespmem:s0], [sflag:$0x1] =	stream.indirect_vreg.gather [hbm4b:s6+s2], $0x80, v4, vm0, $0xb8;
	[tilespmem:$0x1A080] =	vst v63  }
0x24: {  	s23 =	simm.s32 $0x1080  }
0x25: {  	[tilespmem:s23], [sflag:$0x1] =	stream.indirect_vreg.gather [hbm4b:s7+s2], $0x80, v4, vm0, $0xb8;
	[tilespmem:$0x1A080] =	vst v63  }
0x26: {  	s24 =	simm.s32 $0x1880  }
0x27: {  	[tilespmem:s24], [sflag:$0x1] =	stream.indirect_vreg.gather [hbm4b:s8+s2], $0x80, v4, vm0, $0xb8;
	[tilespmem:$0x1A080] =	vst v63  }
0x28: {  	s26 =	simm.s32 $0x2080;
	v3 =	vperm.xlane v3, v2  }
0x29: {  	[tilespmem:s26], [sflag:$0x1] =	stream.indirect_vreg.gather [hbm4b:s9+s2], $0x80, v4, vm0, $0xb8;
	[tilespmem:$0x1A080] =	vst v63  }
0x2a: {  	s28 =	simm.s32 $0x2880;
	v3 =	vadd.s32 v1, v3  }
0x2b: {  	[tilespmem:s28], [sflag:$0x1] =	stream.indirect_vreg.gather [hbm4b:s10+s2], $0x80, v4, vm0, $0xb8;
	[tilespmem:$0x1A080] =	vst v63  }
0x2c: {  	s29 =	simm.s32 $0x3080  }
0x2d: {  	[tilespmem:s29], [sflag:$0x1] =	stream.indirect_vreg.gather [hbm4b:s11+s2], $0x80, v4, vm1, $0xb8;
	[tilespmem:$0x1A080] =	vst v63  }
0x2e: {  	s30 =	simm.s32 $0x3480  }
0x2f: {  	[tilespmem:s30], [sflag:$0x1] =	stream.indirect_vreg.gather [hbm4b:s3+s2], $0x80, v3, vm0, $0xb8;
	[tilespmem:$0x1A080] =	vst v63  }
0x30: {  	s1 =	simm.s32 $0x3C80  }
0x31: {  	[tilespmem:s1], [sflag:$0x1] =	stream.indirect_vreg.gather [hbm4b:s6+s2], $0x80, v3, vm0, $0xb8;
	[tilespmem:$0x1A080] =	vst v63  }
0x32: {  	s4 =	simm.s32 $0x4480  }
0x33: {  	[tilespmem:s4], [sflag:$0x1] =	stream.indirect_vreg.gather [hbm4b:s7+s2], $0x80, v3, vm0, $0xb8;
	[tilespmem:$0x1A080] =	vst v63  }
0x34: {  	s15 =	simm.s32 $0x4C80  }
0x35: {  	[tilespmem:s15], [sflag:$0x1] =	stream.indirect_vreg.gather [hbm4b:s8+s2], $0x80, v3, vm0, $0xb8;
	[tilespmem:$0x1A080] =	vst v63  }
0x36: {  	s16 =	simm.s32 $0x5480  }
0x37: {  	[tilespmem:s16], [sflag:$0x1] =	stream.indirect_vreg.gather [hbm4b:s9+s2], $0x80, v3, vm0, $0xb8;
	[tilespmem:$0x1A080] =	vst v63  }
0x38: {  	s17 =	simm.s32 $0x5C80  }
0x39: {  	[tilespmem:s17], [sflag:$0x1] =	stream.indirect_vreg.gather [hbm4b:s10+s2], $0x80, v3, vm0, $0xb8;
	[tilespmem:$0x1A080] =	vst v63  }
0x3a: {  	s18 =	simm.s32 $0x6480  }
0x3b: {  	[tilespmem:s18], [sflag:$0x1] =	stream.indirect_vreg.gather [hbm4b:s11+s2], $0x80, v3, vm1, $0xb8;
	[tilespmem:$0x1A080] =	vst v63  }
0x3c: {  	v3 =	vld [tilespmem:$0x10];
	_ =	sdelay $0x4  }
0x3d: {  	v41 =	vshrl.u32 v3, $0x3  }
0x3e: {  	v4 =	vmul.u32 $0x68, v41  }
0x3f: {  	v3 =	vand.u32 $0x7, v3  }
0x40: {  	v3 =	vor.u32 v3, v4  }
0x41: {  	v4 =	vperm.xlane v3, v0;
	_ =	sdelay $0x1  }
0x42: {  	v4 =	vadd.s32 v1, v4;
	_ =	sdelay $0x3  }
0x43: {  	s19 =	simm.s32 $0x6880  }
0x44: {  	[tilespmem:s19], [sflag:$0x1] =	stream.indirect_vreg.gather [hbm4b:s3+s2], $0x80, v4, vm0, $0xb8;
	[tilespmem:$0x1A080] =	vst v63  }
0x45: {  	s20 =	simm.s32 $0x7080  }
0x46: {  	[tilespmem:s20], [sflag:$0x1] =	stream.indirect_vreg.gather [hbm4b:s6+s2], $0x80, v4, vm0, $0xb8;
	[tilespmem:$0x1A080] =	vst v63  }
0x47: {  	s22 =	simm.s32 $0x7880  }
0x48: {  	[tilespmem:s22], [sflag:$0x1] =	stream.indirect_vreg.gather [hbm4b:s7+s2], $0x80, v4, vm0, $0xb8;
	[tilespmem:$0x1A080] =	vst v63  }
0x49: {  	s23 =	simm.s32 $0x8080  }
0x4a: {  	[tilespmem:s23], [sflag:$0x1] =	stream.indirect_vreg.gather [hbm4b:s8+s2], $0x80, v4, vm0, $0xb8;
	[tilespmem:$0x1A080] =	vst v63  }
0x4b: {  	s24 =	simm.s32 $0x8880;
	v3 =	vperm.xlane v3, v2  }
0x4c: {  	[tilespmem:s24], [sflag:$0x1] =	stream.indirect_vreg.gather [hbm4b:s9+s2], $0x80, v4, vm0, $0xb8;
	[tilespmem:$0x1A080] =	vst v63  }
0x4d: {  	s26 =	simm.s32 $0x9080;
	v3 =	vadd.s32 v1, v3  }
0x4e: {  	[tilespmem:s26], [sflag:$0x1] =	stream.indirect_vreg.gather [hbm4b:s10+s2], $0x80, v4, vm0, $0xb8;
	[tilespmem:$0x1A080] =	vst v63  }
0x4f: {  	s28 =	simm.s32 $0x9880  }
0x50: {  	[tilespmem:s28], [sflag:$0x1] =	stream.indirect_vreg.gather [hbm4b:s11+s2], $0x80, v4, vm1, $0xb8;
	[tilespmem:$0x1A080] =	vst v63  }
0x51: {  	s29 =	simm.s32 $0x9C80  }
0x52: {  	[tilespmem:s29], [sflag:$0x1] =	stream.indirect_vreg.gather [hbm4b:s3+s2], $0x80, v3, vm0, $0xb8;
	[tilespmem:$0x1A080] =	vst v63  }
0x53: {  	s30 =	simm.s32 $0xA480  }
0x54: {  	[tilespmem:s30], [sflag:$0x1] =	stream.indirect_vreg.gather [hbm4b:s6+s2], $0x80, v3, vm0, $0xb8;
	[tilespmem:$0x1A080] =	vst v63  }
0x55: {  	s0 =	simm.s32 $0xAC80  }
0x56: {  	[tilespmem:s0], [sflag:$0x1] =	stream.indirect_vreg.gather [hbm4b:s7+s2], $0x80, v3, vm0, $0xb8;
	[tilespmem:$0x1A080] =	vst v63  }
0x57: {  	s4 =	simm.s32 $0xB480  }
0x58: {  	[tilespmem:s4], [sflag:$0x1] =	stream.indirect_vreg.gather [hbm4b:s8+s2], $0x80, v3, vm0, $0xb8;
	[tilespmem:$0x1A080] =	vst v63  }
0x59: {  	s15 =	simm.s32 $0xBC80  }
0x5a: {  	[tilespmem:s15], [sflag:$0x1] =	stream.indirect_vreg.gather [hbm4b:s9+s2], $0x80, v3, vm0, $0xb8;
	[tilespmem:$0x1A080] =	vst v63  }
0x5b: {  	s16 =	simm.s32 $0xC480  }
0x5c: {  	[tilespmem:s16], [sflag:$0x1] =	stream.indirect_vreg.gather [hbm4b:s10+s2], $0x80, v3, vm0, $0xb8;
	[tilespmem:$0x1A080] =	vst v63  }
0x5d: {  	s17 =	simm.s32 $0xCC80  }
0x5e: {  	[tilespmem:s17], [sflag:$0x1] =	stream.indirect_vreg.gather [hbm4b:s11+s2], $0x80, v3, vm1, $0xb8;
	[tilespmem:$0x1A080] =	vst v63  }
0x5f: {  	v3 =	vld [tilespmem:$0x20];
	_ =	sdelay $0x4  }
0x60: {  	v42 =	vshrl.u32 v3, $0x3  }
0x61: {  	v4 =	vmul.u32 $0x68, v42  }
0x62: {  	v3 =	vand.u32 $0x7, v3  }
0x63: {  	v3 =	vor.u32 v3, v4  }
0x64: {  	v4 =	vperm.xlane v3, v0;
	_ =	sdelay $0x1  }
0x65: {  	v4 =	vadd.s32 v1, v4;
	_ =	sdelay $0x3  }
0x66: {  	s18 =	simm.s32 $0xD080  }
0x67: {  	[tilespmem:s18], [sflag:$0x1] =	stream.indirect_vreg.gather [hbm4b:s3+s2], $0x80, v4, vm0, $0xb8;
	[tilespmem:$0x1A080] =	vst v63  }
0x68: {  	s19 =	simm.s32 $0xD880  }
0x69: {  	[tilespmem:s19], [sflag:$0x1] =	stream.indirect_vreg.gather [hbm4b:s6+s2], $0x80, v4, vm0, $0xb8;
	[tilespmem:$0x1A080] =	vst v63  }
0x6a: {  	s20 =	simm.s32 $0xE080  }
0x6b: {  	[tilespmem:s20], [sflag:$0x1] =	stream.indirect_vreg.gather [hbm4b:s7+s2], $0x80, v4, vm0, $0xb8;
	[tilespmem:$0x1A080] =	vst v63  }
0x6c: {  	s22 =	simm.s32 $0xE880  }
0x6d: {  	[tilespmem:s22], [sflag:$0x1] =	stream.indirect_vreg.gather [hbm4b:s8+s2], $0x80, v4, vm0, $0xb8;
	[tilespmem:$0x1A080] =	vst v63  }
0x6e: {  	s23 =	simm.s32 $0xF080;
	v3 =	vperm.xlane v3, v2  }
0x6f: {  	[tilespmem:s23], [sflag:$0x1] =	stream.indirect_vreg.gather [hbm4b:s9+s2], $0x80, v4, vm0, $0xb8;
	[tilespmem:$0x1A080] =	vst v63  }
0x70: {  	s24 =	simm.s32 $0xF880;
	v3 =	vadd.s32 v1, v3  }
0x71: {  	[tilespmem:s24], [sflag:$0x1] =	stream.indirect_vreg.gather [hbm4b:s10+s2], $0x80, v4, vm0, $0xb8;
	[tilespmem:$0x1A080] =	vst v63  }
0x72: {  	s29 =	simm.s32 $0x10080  }
0x73: {  	[tilespmem:s29], [sflag:$0x1] =	stream.indirect_vreg.gather [hbm4b:s11+s2], $0x80, v4, vm1, $0xb8;
	[tilespmem:$0x1A080] =	vst v63  }
0x74: {  	s30 =	simm.s32 $0x10480  }
0x75: {  	[tilespmem:s30], [sflag:$0x1] =	stream.indirect_vreg.gather [hbm4b:s3+s2], $0x80, v3, vm0, $0xb8;
	[tilespmem:$0x1A080] =	vst v63  }
0x76: {  	s0 =	simm.s32 $0x10C80  }
0x77: {  	[tilespmem:s0], [sflag:$0x1] =	stream.indirect_vreg.gather [hbm4b:s6+s2], $0x80, v3, vm0, $0xb8;
	[tilespmem:$0x1A080] =	vst v63  }
0x78: {  	s4 =	simm.s32 $0x11480  }
0x79: {  	[tilespmem:s4], [sflag:$0x1] =	stream.indirect_vreg.gather [hbm4b:s7+s2], $0x80, v3, vm0, $0xb8;
	[tilespmem:$0x1A080] =	vst v63  }
0x7a: {  	s15 =	simm.s32 $0x11C80  }
0x7b: {  	[tilespmem:s15], [sflag:$0x1] =	stream.indirect_vreg.gather [hbm4b:s8+s2], $0x80, v3, vm0, $0xb8;
	[tilespmem:$0x1A080] =	vst v63  }
0x7c: {  	s16 =	simm.s32 $0x12480  }
0x7d: {  	[tilespmem:s16], [sflag:$0x1] =	stream.indirect_vreg.gather [hbm4b:s9+s2], $0x80, v3, vm0, $0xb8;
	[tilespmem:$0x1A080] =	vst v63  }
0x7e: {  	s17 =	simm.s32 $0x12C80  }
0x7f: {  	[tilespmem:s17], [sflag:$0x1] =	stream.indirect_vreg.gather [hbm4b:s10+s2], $0x80, v3, vm0, $0xb8;
	[tilespmem:$0x1A080] =	vst v63  }
0x80: {  	s18 =	simm.s32 $0x13480  }
0x81: {  	[tilespmem:s18], [sflag:$0x1] =	stream.indirect_vreg.gather [hbm4b:s11+s2], $0x80, v3, vm1, $0xb8;
	[tilespmem:$0x1A080] =	vst v63  }
0x82: {  	v3 =	vld [tilespmem:$0x30];
	_ =	sdelay $0x4  }
0x83: {  	v43 =	vshrl.u32 v3, $0x3  }
0x84: {  	v4 =	vmul.u32 $0x68, v43  }
0x85: {  	v3 =	vand.u32 $0x7, v3  }
0x86: {  	v3 =	vor.u32 v3, v4  }
0x87: {  	v4 =	vperm.xlane v3, v0;
	_ =	sdelay $0x1  }
0x88: {  	v4 =	vadd.s32 v1, v4;
	_ =	sdelay $0x3  }
0x89: {  	s19 =	simm.s32 $0x13880  }
0x8a: {  	[tilespmem:s19], [sflag:$0x1] =	stream.indirect_vreg.gather [hbm4b:s3+s2], $0x80, v4, vm0, $0xb8;
	[tilespmem:$0x1A080] =	vst v63  }
0x8b: {  	s20 =	simm.s32 $0x14080  }
0x8c: {  	[tilespmem:s20], [sflag:$0x1] =	stream.indirect_vreg.gather [hbm4b:s6+s2], $0x80, v4, vm0, $0xb8;
	[tilespmem:$0x1A080] =	vst v63  }
0x8d: {  	s22 =	simm.s32 $0x14880  }
0x8e: {  	[tilespmem:s22], [sflag:$0x1] =	stream.indirect_vreg.gather [hbm4b:s7+s2], $0x80, v4, vm0, $0xb8;
	[tilespmem:$0x1A080] =	vst v63  }
0x8f: {  	s23 =	simm.s32 $0x15080  }
0x90: {  	[tilespmem:s23], [sflag:$0x1] =	stream.indirect_vreg.gather [hbm4b:s8+s2], $0x80, v4, vm0, $0xb8;
	[tilespmem:$0x1A080] =	vst v63  }
0x91: {  	s24 =	simm.s32 $0x15880;
	v3 =	vperm.xlane v3, v2  }
0x92: {  	[tilespmem:s24], [sflag:$0x1] =	stream.indirect_vreg.gather [hbm4b:s9+s2], $0x80, v4, vm0, $0xb8;
	[tilespmem:$0x1A080] =	vst v63  }
0x93: {  	s0 =	simm.s32 $0x16080;
	v3 =	vadd.s32 v1, v3  }
0x94: {  	[tilespmem:s0], [sflag:$0x1] =	stream.indirect_vreg.gather [hbm4b:s10+s2], $0x80, v4, vm0, $0xb8;
	[tilespmem:$0x1A080] =	vst v63  }
0x95: {  	s4 =	simm.s32 $0x16880  }
0x96: {  	[tilespmem:s4], [sflag:$0x1] =	stream.indirect_vreg.gather [hbm4b:s11+s2], $0x80, v4, vm1, $0xb8;
	[tilespmem:$0x1A080] =	vst v63  }
0x97: {  	s15 =	simm.s32 $0x16C80  }
0x98: {  	[tilespmem:s15], [sflag:$0x1] =	stream.indirect_vreg.gather [hbm4b:s3+s2], $0x80, v3, vm0, $0xb8;
	[tilespmem:$0x1A080] =	vst v63  }
0x99: {  	s16 =	simm.s32 $0x17480  }
0x9a: {  	[tilespmem:s16], [sflag:$0x1] =	stream.indirect_vreg.gather [hbm4b:s6+s2], $0x80, v3, vm0, $0xb8;
	[tilespmem:$0x1A080] =	vst v63  }
0x9b: {  	s17 =	simm.s32 $0x17C80  }
0x9c: {  	[tilespmem:s17], [sflag:$0x1] =	stream.indirect_vreg.gather [hbm4b:s7+s2], $0x80, v3, vm0, $0xb8;
	[tilespmem:$0x1A080] =	vst v63  }
0x9d: {  	s18 =	simm.s32 $0x18480  }
0x9e: {  	[tilespmem:s18], [sflag:$0x1] =	stream.indirect_vreg.gather [hbm4b:s8+s2], $0x80, v3, vm0, $0xb8;
	[tilespmem:$0x1A080] =	vst v63  }
0x9f: {  	s19 =	simm.s32 $0x18C80  }
0xa0: {  	[tilespmem:s19], [sflag:$0x1] =	stream.indirect_vreg.gather [hbm4b:s9+s2], $0x80, v3, vm0, $0xb8;
	[tilespmem:$0x1A080] =	vst v63  }
0xa1: {  	s20 =	simm.s32 $0x19480  }
0xa2: {  	[tilespmem:s20], [sflag:$0x1] =	stream.indirect_vreg.gather [hbm4b:s10+s2], $0x80, v3, vm0, $0xb8;
	[tilespmem:$0x1A080] =	vst v63  }
0xa3: {  	s22 =	simm.s32 $0x19C80  }
0xa4: {  	[tilespmem:s22], [sflag:$0x1] =	stream.indirect_vreg.gather [hbm4b:s11+s2], $0x80, v3, vm1, $0xb8;
	[tilespmem:$0x1A080] =	vst v63  }
0xa5: {  	_ =	swait.ge [sflag:s31], $0x1A000  }
0xa6: {  	[sflag:s31] =	ssyncset.done $0x0  }
0xa7: {  	s23 =	rddreg [dreg:$0xe];
	[sflag:s31] =	ssyncadd.s32 $0xFFFE6000  }
0xa8: {  	[hbm4b:s23+s2] =	stream.linear.scatter [tilespmem:s25], [sflag:$0x2], $0x1A000, $0x38;
	[tilespmem:$0x1A080] =	vst v63  }
0xa9: {  	_ =	swait.ge [sflag:s13], $0x1A000  }
0xaa: {  	[sflag:s13] =	ssyncset.done $0x0  }
0xab: {  	s24 =	rddreg [dreg:$0x3];
	[sflag:s13] =	ssyncadd.s32 $0xFFFE6000  }
0xac: {  	[tilespmem:s2], [sflag:$0x2] =	stream.linear.gather [hbm4b:s24+s2], $0x40, $0x38;
	[tilespmem:$0x1A080] =	vst v63  }
0xad: {  	_ =	swait.ge [sflag:s13], $0x40  }
0xae: {  	[sflag:s13] =	ssyncset.done $0x0  }
0xaf: {  	[sflag:s13] =	ssyncadd.s32 $0xFFFFFFC0  }
0xb0: {  	v3 =	vld [tilespmem:$0x0];
	_ =	sdelay $0x4  }
0xb1: {  	v44 =	vshrl.u32 v3, $0x3  }
0xb2: {  	v4 =	vmul.u32 $0x68, v44  }
0xb3: {  	v3 =	vand.u32 $0x7, v3  }
0xb4: {  	v3 =	vor.u32 v3, v4  }
0xb5: {  	v4 =	vperm.xlane v3, v0;
	_ =	sdelay $0x1  }
0xb6: {  	v4 =	vadd.s32 v1, v4;
	_ =	sdelay $0x4  }
0xb7: {  	[tilespmem:s25], [sflag:$0x1] =	stream.indirect_vreg.gather [hbm4b:s3+s2], $0x80, v4, vm0, $0xb8;
	[tilespmem:$0x1A080] =	vst v63  }
0xb8: {  	s0 =	simm.s32 $0x880  }
0xb9: {  	[tilespmem:s0], [sflag:$0x1] =	stream.indirect_vreg.gather [hbm4b:s6+s2], $0x80, v4, vm0, $0xb8;
	[tilespmem:$0x1A080] =	vst v63  }
0xba: {  	s4 =	simm.s32 $0x1080  }
0xbb: {  	[tilespmem:s4], [sflag:$0x1] =	stream.indirect_vreg.gather [hbm4b:s7+s2], $0x80, v4, vm0, $0xb8;
	[tilespmem:$0x1A080] =	vst v63  }
0xbc: {  	s5 =	simm.s32 $0x1880  }
0xbd: {  	[tilespmem:s5], [sflag:$0x1] =	stream.indirect_vreg.gather [hbm4b:s8+s2], $0x80, v4, vm0, $0xb8;
	[tilespmem:$0x1A080] =	vst v63  }
0xbe: {  	s14 =	simm.s32 $0x2080;
	v3 =	vperm.xlane v3, v2  }
0xbf: {  	[tilespmem:s14], [sflag:$0x1] =	stream.indirect_vreg.gather [hbm4b:s9+s2], $0x80, v4, vm0, $0xb8;
	[tilespmem:$0x1A080] =	vst v63  }
0xc0: {  	v3 =	vadd.s32 v1, v3;
	s5 =	simm.s32 $0x2880  }
0xc1: {  	[tilespmem:s5], [sflag:$0x1] =	stream.indirect_vreg.gather [hbm4b:s10+s2], $0x80, v4, vm0, $0xb8;
	[tilespmem:$0x1A080] =	vst v63  }
0xc2: {  	s14 =	simm.s32 $0x3080  }
0xc3: {  	[tilespmem:s14], [sflag:$0x1] =	stream.indirect_vreg.gather [hbm4b:s11+s2], $0x80, v4, vm1, $0xb8;
	[tilespmem:$0x1A080] =	vst v63  }
0xc4: {  	s15 =	simm.s32 $0x3480  }
0xc5: {  	[tilespmem:s15], [sflag:$0x1] =	stream.indirect_vreg.gather [hbm4b:s3+s2], $0x80, v3, vm0, $0xb8;
	[tilespmem:$0x1A080] =	vst v63  }
0xc6: {  	s16 =	simm.s32 $0x3C80  }
0xc7: {  	[tilespmem:s16], [sflag:$0x1] =	stream.indirect_vreg.gather [hbm4b:s6+s2], $0x80, v3, vm0, $0xb8;
	[tilespmem:$0x1A080] =	vst v63  }
0xc8: {  	s17 =	simm.s32 $0x4480  }
0xc9: {  	[tilespmem:s17], [sflag:$0x1] =	stream.indirect_vreg.gather [hbm4b:s7+s2], $0x80, v3, vm0, $0xb8;
	[tilespmem:$0x1A080] =	vst v63  }
0xca: {  	s18 =	simm.s32 $0x4C80  }
0xcb: {  	[tilespmem:s18], [sflag:$0x1] =	stream.indirect_vreg.gather [hbm4b:s8+s2], $0x80, v3, vm0, $0xb8;
	[tilespmem:$0x1A080] =	vst v63  }
0xcc: {  	s19 =	simm.s32 $0x5480  }
0xcd: {  	[tilespmem:s19], [sflag:$0x1] =	stream.indirect_vreg.gather [hbm4b:s9+s2], $0x80, v3, vm0, $0xb8;
	[tilespmem:$0x1A080] =	vst v63  }
0xce: {  	s20 =	simm.s32 $0x5C80  }
0xcf: {  	[tilespmem:s20], [sflag:$0x1] =	stream.indirect_vreg.gather [hbm4b:s10+s2], $0x80, v3, vm0, $0xb8;
	[tilespmem:$0x1A080] =	vst v63  }
0xd0: {  	s21 =	simm.s32 $0x6480  }
0xd1: {  	[tilespmem:s21], [sflag:$0x1] =	stream.indirect_vreg.gather [hbm4b:s11+s2], $0x80, v3, vm1, $0xb8;
	[tilespmem:$0x1A080] =	vst v63  }
0xd2: {  	v3 =	vld [tilespmem:$0x10];
	_ =	sdelay $0x4  }
0xd3: {  	v45 =	vshrl.u32 v3, $0x3  }
0xd4: {  	v4 =	vmul.u32 $0x68, v45  }
0xd5: {  	v3 =	vand.u32 $0x7, v3  }
0xd6: {  	v3 =	vor.u32 v3, v4  }
0xd7: {  	v4 =	vperm.xlane v3, v0;
	_ =	sdelay $0x1  }
0xd8: {  	v4 =	vadd.s32 v1, v4;
	_ =	sdelay $0x3  }
0xd9: {  	s21 =	simm.s32 $0x6880  }
0xda: {  	[tilespmem:s21], [sflag:$0x1] =	stream.indirect_vreg.gather [hbm4b:s3+s2], $0x80, v4, vm0, $0xb8;
	[tilespmem:$0x1A080] =	vst v63  }
0xdb: {  	s22 =	simm.s32 $0x7080  }
0xdc: {  	[tilespmem:s22], [sflag:$0x1] =	stream.indirect_vreg.gather [hbm4b:s6+s2], $0x80, v4, vm0, $0xb8;
	[tilespmem:$0x1A080] =	vst v63  }
0xdd: {  	s23 =	simm.s32 $0x7880  }
0xde: {  	[tilespmem:s23], [sflag:$0x1] =	stream.indirect_vreg.gather [hbm4b:s7+s2], $0x80, v4, vm0, $0xb8;
	[tilespmem:$0x1A080] =	vst v63  }
0xdf: {  	s24 =	simm.s32 $0x8080  }
0xe0: {  	[tilespmem:s24], [sflag:$0x1] =	stream.indirect_vreg.gather [hbm4b:s8+s2], $0x80, v4, vm0, $0xb8;
	[tilespmem:$0x1A080] =	vst v63  }
0xe1: {  	s1 =	simm.s32 $0x8880;
	v3 =	vperm.xlane v3, v2  }
0xe2: {  	[tilespmem:s1], [sflag:$0x1] =	stream.indirect_vreg.gather [hbm4b:s9+s2], $0x80, v4, vm0, $0xb8;
	[tilespmem:$0x1A080] =	vst v63  }
0xe3: {  	v3 =	vadd.s32 v1, v3;
	s1 =	simm.s32 $0x9080  }
0xe4: {  	[tilespmem:s1], [sflag:$0x1] =	stream.indirect_vreg.gather [hbm4b:s10+s2], $0x80, v4, vm0, $0xb8;
	[tilespmem:$0x1A080] =	vst v63  }
0xe5: {  	s1 =	simm.s32 $0x9880  }
0xe6: {  	[tilespmem:s1], [sflag:$0x1] =	stream.indirect_vreg.gather [hbm4b:s11+s2], $0x80, v4, vm1, $0xb8;
	[tilespmem:$0x1A080] =	vst v63  }
0xe7: {  	s1 =	simm.s32 $0x9C80  }
0xe8: {  	[tilespmem:s1], [sflag:$0x1] =	stream.indirect_vreg.gather [hbm4b:s3+s2], $0x80, v3, vm0, $0xb8;
	[tilespmem:$0x1A080] =	vst v63  }
0xe9: {  	s1 =	simm.s32 $0xA480  }
0xea: {  	[tilespmem:s1], [sflag:$0x1] =	stream.indirect_vreg.gather [hbm4b:s6+s2], $0x80, v3, vm0, $0xb8;
	[tilespmem:$0x1A080] =	vst v63  }
0xeb: {  	s1 =	simm.s32 $0xAC80  }
0xec: {  	[tilespmem:s1], [sflag:$0x1] =	stream.indirect_vreg.gather [hbm4b:s7+s2], $0x80, v3, vm0, $0xb8;
	[tilespmem:$0x1A080] =	vst v63  }
0xed: {  	s1 =	simm.s32 $0xB480  }
0xee: {  	[tilespmem:s1], [sflag:$0x1] =	stream.indirect_vreg.gather [hbm4b:s8+s2], $0x80, v3, vm0, $0xb8;
	[tilespmem:$0x1A080] =	vst v63  }
0xef: {  	s1 =	simm.s32 $0xBC80  }
0xf0: {  	[tilespmem:s1], [sflag:$0x1] =	stream.indirect_vreg.gather [hbm4b:s9+s2], $0x80, v3, vm0, $0xb8;
	[tilespmem:$0x1A080] =	vst v63  }
0xf1: {  	s1 =	simm.s32 $0xC480  }
0xf2: {  	[tilespmem:s1], [sflag:$0x1] =	stream.indirect_vreg.gather [hbm4b:s10+s2], $0x80, v3, vm0, $0xb8;
	[tilespmem:$0x1A080] =	vst v63  }
0xf3: {  	s1 =	simm.s32 $0xCC80  }
0xf4: {  	[tilespmem:s1], [sflag:$0x1] =	stream.indirect_vreg.gather [hbm4b:s11+s2], $0x80, v3, vm1, $0xb8;
	[tilespmem:$0x1A080] =	vst v63  }
0xf5: {  	v3 =	vld [tilespmem:$0x20];
	_ =	sdelay $0x4  }
0xf6: {  	v46 =	vshrl.u32 v3, $0x3  }
0xf7: {  	v4 =	vmul.u32 $0x68, v46  }
0xf8: {  	v3 =	vand.u32 $0x7, v3  }
0xf9: {  	v3 =	vor.u32 v3, v4  }
0xfa: {  	v4 =	vperm.xlane v3, v0;
	_ =	sdelay $0x1  }
0xfb: {  	v4 =	vadd.s32 v1, v4;
	_ =	sdelay $0x3  }
0xfc: {  	s1 =	simm.s32 $0xD080  }
0xfd: {  	[tilespmem:s1], [sflag:$0x1] =	stream.indirect_vreg.gather [hbm4b:s3+s2], $0x80, v4, vm0, $0xb8;
	[tilespmem:$0x1A080] =	vst v63  }
0xfe: {  	s1 =	simm.s32 $0xD880  }
0xff: {  	[tilespmem:s1], [sflag:$0x1] =	stream.indirect_vreg.gather [hbm4b:s6+s2], $0x80, v4, vm0, $0xb8;
	[tilespmem:$0x1A080] =	vst v63  }
0x100: {  	s1 =	simm.s32 $0xE080  }
0x101: {  	[tilespmem:s1], [sflag:$0x1] =	stream.indirect_vreg.gather [hbm4b:s7+s2], $0x80, v4, vm0, $0xb8;
	[tilespmem:$0x1A080] =	vst v63  }
0x102: {  	s26 =	simm.s32 $0xE880  }
0x103: {  	[tilespmem:s26], [sflag:$0x1] =	stream.indirect_vreg.gather [hbm4b:s8+s2], $0x80, v4, vm0, $0xb8;
	[tilespmem:$0x1A080] =	vst v63  }
0x104: {  	s28 =	simm.s32 $0xF080;
	v3 =	vperm.xlane v3, v2  }
0x105: {  	[tilespmem:s28], [sflag:$0x1] =	stream.indirect_vreg.gather [hbm4b:s9+s2], $0x80, v4, vm0, $0xb8;
	[tilespmem:$0x1A080] =	vst v63  }
0x106: {  	v3 =	vadd.s32 v1, v3;
	s26 =	simm.s32 $0xF880  }
0x107: {  	[tilespmem:s26], [sflag:$0x1] =	stream.indirect_vreg.gather [hbm4b:s10+s2], $0x80, v4, vm0, $0xb8;
	[tilespmem:$0x1A080] =	vst v63  }
0x108: {  	s28 =	simm.s32 $0x10080  }
0x109: {  	[tilespmem:s28], [sflag:$0x1] =	stream.indirect_vreg.gather [hbm4b:s11+s2], $0x80, v4, vm1, $0xb8;
	[tilespmem:$0x1A080] =	vst v63  }
0x10a: {  	s1 =	simm.s32 $0x10480  }
0x10b: {  	[tilespmem:s1], [sflag:$0x1] =	stream.indirect_vreg.gather [hbm4b:s3+s2], $0x80, v3, vm0, $0xb8;
	[tilespmem:$0x1A080] =	vst v63  }
0x10c: {  	s1 =	simm.s32 $0x10C80  }
0x10d: {  	[tilespmem:s1], [sflag:$0x1] =	stream.indirect_vreg.gather [hbm4b:s6+s2], $0x80, v3, vm0, $0xb8;
	[tilespmem:$0x1A080] =	vst v63  }
0x10e: {  	s1 =	simm.s32 $0x11480  }
0x10f: {  	[tilespmem:s1], [sflag:$0x1] =	stream.indirect_vreg.gather [hbm4b:s7+s2], $0x80, v3, vm0, $0xb8;
	[tilespmem:$0x1A080] =	vst v63  }
0x110: {  	s1 =	simm.s32 $0x11C80  }
0x111: {  	[tilespmem:s1], [sflag:$0x1] =	stream.indirect_vreg.gather [hbm4b:s8+s2], $0x80, v3, vm0, $0xb8;
	[tilespmem:$0x1A080] =	vst v63  }
0x112: {  	s1 =	simm.s32 $0x12480  }
0x113: {  	[tilespmem:s1], [sflag:$0x1] =	stream.indirect_vreg.gather [hbm4b:s9+s2], $0x80, v3, vm0, $0xb8;
	[tilespmem:$0x1A080] =	vst v63  }
0x114: {  	s1 =	simm.s32 $0x12C80  }
0x115: {  	[tilespmem:s1], [sflag:$0x1] =	stream.indirect_vreg.gather [hbm4b:s10+s2], $0x80, v3, vm0, $0xb8;
	[tilespmem:$0x1A080] =	vst v63  }
0x116: {  	s29 =	simm.s32 $0x13480  }
0x117: {  	[tilespmem:s29], [sflag:$0x1] =	stream.indirect_vreg.gather [hbm4b:s11+s2], $0x80, v3, vm1, $0xb8;
	[tilespmem:$0x1A080] =	vst v63  }
0x118: {  	v3 =	vld [tilespmem:$0x30];
	_ =	sdelay $0x4  }
0x119: {  	v47 =	vshrl.u32 v3, $0x3  }
0x11a: {  	v4 =	vmul.u32 $0x68, v47  }
0x11b: {  	v3 =	vand.u32 $0x7, v3  }
0x11c: {  	v3 =	vor.u32 v3, v4  }
0x11d: {  	v4 =	vperm.xlane v3, v0;
	_ =	sdelay $0x1  }
0x11e: {  	v4 =	vadd.s32 v1, v4;
	_ =	sdelay $0x3  }
0x11f: {  	s29 =	simm.s32 $0x13880  }
0x120: {  	[tilespmem:s29], [sflag:$0x1] =	stream.indirect_vreg.gather [hbm4b:s3+s2], $0x80, v4, vm0, $0xb8;
	[tilespmem:$0x1A080] =	vst v63  }
0x121: {  	s1 =	simm.s32 $0x14080  }
0x122: {  	[tilespmem:s1], [sflag:$0x1] =	stream.indirect_vreg.gather [hbm4b:s6+s2], $0x80, v4, vm0, $0xb8;
	[tilespmem:$0x1A080] =	vst v63  }
0x123: {  	s1 =	simm.s32 $0x14880  }
0x124: {  	[tilespmem:s1], [sflag:$0x1] =	stream.indirect_vreg.gather [hbm4b:s7+s2], $0x80, v4, vm0, $0xb8;
	[tilespmem:$0x1A080] =	vst v63  }
0x125: {  	s30 =	simm.s32 $0x15080  }
0x126: {  	[tilespmem:s30], [sflag:$0x1] =	stream.indirect_vreg.gather [hbm4b:s8+s2], $0x80, v4, vm0, $0xb8;
	[tilespmem:$0x1A080] =	vst v63  }
0x127: {  	v3 =	vperm.xlane v3, v2;
	s30 =	simm.s32 $0x15880  }
0x128: {  	[tilespmem:s30], [sflag:$0x1] =	stream.indirect_vreg.gather [hbm4b:s9+s2], $0x80, v4, vm0, $0xb8;
	[tilespmem:$0x1A080] =	vst v63  }
0x129: {  	v3 =	vadd.s32 v1, v3;
	s30 =	simm.s32 $0x16080  }
0x12a: {  	[tilespmem:s30], [sflag:$0x1] =	stream.indirect_vreg.gather [hbm4b:s10+s2], $0x80, v4, vm0, $0xb8;
	[tilespmem:$0x1A080] =	vst v63  }
0x12b: {  	s1 =	simm.s32 $0x16880  }
0x12c: {  	[tilespmem:s1], [sflag:$0x1] =	stream.indirect_vreg.gather [hbm4b:s11+s2], $0x80, v4, vm1, $0xb8;
	[tilespmem:$0x1A080] =	vst v63  }
0x12d: {  	s1 =	simm.s32 $0x16C80  }
0x12e: {  	[tilespmem:s1], [sflag:$0x1] =	stream.indirect_vreg.gather [hbm4b:s3+s2], $0x80, v3, vm0, $0xb8;
	[tilespmem:$0x1A080] =	vst v63  }
0x12f: {  	s1 =	simm.s32 $0x17480  }
0x130: {  	[tilespmem:s1], [sflag:$0x1] =	stream.indirect_vreg.gather [hbm4b:s6+s2], $0x80, v3, vm0, $0xb8;
	[tilespmem:$0x1A080] =	vst v63  }
0x131: {  	s1 =	simm.s32 $0x17C80  }
0x132: {  	[tilespmem:s1], [sflag:$0x1] =	stream.indirect_vreg.gather [hbm4b:s7+s2], $0x80, v3, vm0, $0xb8;
	[tilespmem:$0x1A080] =	vst v63  }
0x133: {  	s1 =	simm.s32 $0x18480  }
0x134: {  	[tilespmem:s1], [sflag:$0x1] =	stream.indirect_vreg.gather [hbm4b:s8+s2], $0x80, v3, vm0, $0xb8;
	[tilespmem:$0x1A080] =	vst v63  }
0x135: {  	s1 =	simm.s32 $0x18C80  }
0x136: {  	[tilespmem:s1], [sflag:$0x1] =	stream.indirect_vreg.gather [hbm4b:s9+s2], $0x80, v3, vm0, $0xb8;
	[tilespmem:$0x1A080] =	vst v63  }
0x137: {  	s1 =	simm.s32 $0x19480  }
0x138: {  	[tilespmem:s1], [sflag:$0x1] =	stream.indirect_vreg.gather [hbm4b:s10+s2], $0x80, v3, vm0, $0xb8;
	[tilespmem:$0x1A080] =	vst v63  }
0x139: {  	s1 =	simm.s32 $0x19C80  }
0x13a: {  	[tilespmem:s1], [sflag:$0x1] =	stream.indirect_vreg.gather [hbm4b:s11+s2], $0x80, v3, vm1, $0xb8;
	[tilespmem:$0x1A080] =	vst v63  }
0x13b: {  	_ =	swait.ge [sflag:s31], $0x1A000  }
0x13c: {  	[sflag:s31] =	ssyncset.done $0x0  }
0x13d: {  	s1 =	rddreg [dreg:$0x4];
	[sflag:s31] =	ssyncadd.s32 $0xFFFE6000  }
0x13e: {  	[hbm4b:s1+s2] =	stream.linear.scatter [tilespmem:s25], [sflag:$0x2], $0x1A000, $0x38;
	[tilespmem:$0x1A080] =	vst v63  }
0x13f: {  	_ =	swait.ge [sflag:s13], $0x1A000  }
0x140: {  	[sflag:s13] =	ssyncset.done $0x0  }
0x141: {  	s1 =	rddreg [dreg:$0x5];
	[sflag:s13] =	ssyncadd.s32 $0xFFFE6000  }
0x142: {  	[tilespmem:s2], [sflag:$0x2] =	stream.linear.gather [hbm4b:s1+s2], $0x40, $0x38;
	[tilespmem:$0x1A080] =	vst v63  }
0x143: {  	_ =	swait.ge [sflag:s13], $0x40  }
0x144: {  	[sflag:s13] =	ssyncset.done $0x0  }
0x145: {  	[sflag:s13] =	ssyncadd.s32 $0xFFFFFFC0  }
0x146: {  	v3 =	vld [tilespmem:$0x0];
	_ =	sdelay $0x4  }
0x147: {  	v48 =	vshrl.u32 v3, $0x3  }
0x148: {  	v4 =	vmul.u32 $0x68, v48  }
0x149: {  	v3 =	vand.u32 $0x7, v3  }
0x14a: {  	v3 =	vor.u32 v3, v4  }
0x14b: {  	v4 =	vperm.xlane v3, v0;
	_ =	sdelay $0x1  }
0x14c: {  	v4 =	vadd.s32 v1, v4;
	_ =	sdelay $0x4  }
0x14d: {  	[tilespmem:s25], [sflag:$0x1] =	stream.indirect_vreg.gather [hbm4b:s3+s2], $0x80, v4, vm0, $0xb8;
	[tilespmem:$0x1A080] =	vst v63  }
0x14e: {  	_ = 	snop  }
0x14f: {  	[tilespmem:s0], [sflag:$0x1] =	stream.indirect_vreg.gather [hbm4b:s6+s2], $0x80, v4, vm0, $0xb8;
	[tilespmem:$0x1A080] =	vst v63  }
0x150: {  	_ = 	snop  }
0x151: {  	[tilespmem:s4], [sflag:$0x1] =	stream.indirect_vreg.gather [hbm4b:s7+s2], $0x80, v4, vm0, $0xb8;
	[tilespmem:$0x1A080] =	vst v63  }
0x152: {  	s1 =	simm.s32 $0x1880  }
0x153: {  	[tilespmem:s1], [sflag:$0x1] =	stream.indirect_vreg.gather [hbm4b:s8+s2], $0x80, v4, vm0, $0xb8;
	[tilespmem:$0x1A080] =	vst v63  }
0x154: {  	v3 =	vperm.xlane v3, v2;
	s1 =	simm.s32 $0x2080  }
0x155: {  	[tilespmem:s1], [sflag:$0x1] =	stream.indirect_vreg.gather [hbm4b:s9+s2], $0x80, v4, vm0, $0xb8;
	[tilespmem:$0x1A080] =	vst v63  }
0x156: {  	v3 =	vadd.s32 v1, v3  }
0x157: {  	[tilespmem:s5], [sflag:$0x1] =	stream.indirect_vreg.gather [hbm4b:s10+s2], $0x80, v4, vm0, $0xb8;
	[tilespmem:$0x1A080] =	vst v63  }
0x158: {  	_ = 	snop  }
0x159: {  	[tilespmem:s14], [sflag:$0x1] =	stream.indirect_vreg.gather [hbm4b:s11+s2], $0x80, v4, vm1, $0xb8;
	[tilespmem:$0x1A080] =	vst v63  }
0x15a: {  	_ = 	snop  }
0x15b: {  	[tilespmem:s15], [sflag:$0x1] =	stream.indirect_vreg.gather [hbm4b:s3+s2], $0x80, v3, vm0, $0xb8;
	[tilespmem:$0x1A080] =	vst v63  }
0x15c: {  	_ = 	snop  }
0x15d: {  	[tilespmem:s16], [sflag:$0x1] =	stream.indirect_vreg.gather [hbm4b:s6+s2], $0x80, v3, vm0, $0xb8;
	[tilespmem:$0x1A080] =	vst v63  }
0x15e: {  	_ = 	snop  }
0x15f: {  	[tilespmem:s17], [sflag:$0x1] =	stream.indirect_vreg.gather [hbm4b:s7+s2], $0x80, v3, vm0, $0xb8;
	[tilespmem:$0x1A080] =	vst v63  }
0x160: {  	_ = 	snop  }
0x161: {  	[tilespmem:s18], [sflag:$0x1] =	stream.indirect_vreg.gather [hbm4b:s8+s2], $0x80, v3, vm0, $0xb8;
	[tilespmem:$0x1A080] =	vst v63  }
0x162: {  	_ = 	snop  }
0x163: {  	[tilespmem:s19], [sflag:$0x1] =	stream.indirect_vreg.gather [hbm4b:s9+s2], $0x80, v3, vm0, $0xb8;
	[tilespmem:$0x1A080] =	vst v63  }
0x164: {  	_ = 	snop  }
0x165: {  	[tilespmem:s20], [sflag:$0x1] =	stream.indirect_vreg.gather [hbm4b:s10+s2], $0x80, v3, vm0, $0xb8;
	[tilespmem:$0x1A080] =	vst v63  }
0x166: {  	s1 =	simm.s32 $0x6480  }
0x167: {  	[tilespmem:s1], [sflag:$0x1] =	stream.indirect_vreg.gather [hbm4b:s11+s2], $0x80, v3, vm1, $0xb8;
	[tilespmem:$0x1A080] =	vst v63  }
0x168: {  	v3 =	vld [tilespmem:$0x10];
	_ =	sdelay $0x4  }
0x169: {  	v49 =	vshrl.u32 v3, $0x3  }
0x16a: {  	v4 =	vmul.u32 $0x68, v49  }
0x16b: {  	v3 =	vand.u32 $0x7, v3  }
0x16c: {  	v3 =	vor.u32 v3, v4  }
0x16d: {  	v4 =	vperm.xlane v3, v0;
	_ =	sdelay $0x1  }
0x16e: {  	v4 =	vadd.s32 v1, v4;
	_ =	sdelay $0x4  }
0x16f: {  	[tilespmem:s21], [sflag:$0x1] =	stream.indirect_vreg.gather [hbm4b:s3+s2], $0x80, v4, vm0, $0xb8;
	[tilespmem:$0x1A080] =	vst v63  }
0x170: {  	_ = 	snop  }
0x171: {  	[tilespmem:s22], [sflag:$0x1] =	stream.indirect_vreg.gather [hbm4b:s6+s2], $0x80, v4, vm0, $0xb8;
	[tilespmem:$0x1A080] =	vst v63  }
0x172: {  	_ = 	snop  }
0x173: {  	[tilespmem:s23], [sflag:$0x1] =	stream.indirect_vreg.gather [hbm4b:s7+s2], $0x80, v4, vm0, $0xb8;
	[tilespmem:$0x1A080] =	vst v63  }
0x174: {  	_ = 	snop  }
0x175: {  	[tilespmem:s24], [sflag:$0x1] =	stream.indirect_vreg.gather [hbm4b:s8+s2], $0x80, v4, vm0, $0xb8;
	[tilespmem:$0x1A080] =	vst v63  }
0x176: {  	s1 =	simm.s32 $0x8880;
	v3 =	vperm.xlane v3, v2  }
0x177: {  	[tilespmem:s1], [sflag:$0x1] =	stream.indirect_vreg.gather [hbm4b:s9+s2], $0x80, v4, vm0, $0xb8;
	[tilespmem:$0x1A080] =	vst v63  }
0x178: {  	v3 =	vadd.s32 v1, v3;
	s1 =	simm.s32 $0x9080  }
0x179: {  	[tilespmem:s1], [sflag:$0x1] =	stream.indirect_vreg.gather [hbm4b:s10+s2], $0x80, v4, vm0, $0xb8;
	[tilespmem:$0x1A080] =	vst v63  }
0x17a: {  	s1 =	simm.s32 $0x9880  }
0x17b: {  	[tilespmem:s1], [sflag:$0x1] =	stream.indirect_vreg.gather [hbm4b:s11+s2], $0x80, v4, vm1, $0xb8;
	[tilespmem:$0x1A080] =	vst v63  }
0x17c: {  	s1 =	simm.s32 $0x9C80  }
0x17d: {  	[tilespmem:s1], [sflag:$0x1] =	stream.indirect_vreg.gather [hbm4b:s3+s2], $0x80, v3, vm0, $0xb8;
	[tilespmem:$0x1A080] =	vst v63  }
0x17e: {  	s1 =	simm.s32 $0xA480  }
0x17f: {  	[tilespmem:s1], [sflag:$0x1] =	stream.indirect_vreg.gather [hbm4b:s6+s2], $0x80, v3, vm0, $0xb8;
	[tilespmem:$0x1A080] =	vst v63  }
0x180: {  	s1 =	simm.s32 $0xAC80  }
0x181: {  	[tilespmem:s1], [sflag:$0x1] =	stream.indirect_vreg.gather [hbm4b:s7+s2], $0x80, v3, vm0, $0xb8;
	[tilespmem:$0x1A080] =	vst v63  }
0x182: {  	s1 =	simm.s32 $0xB480  }
0x183: {  	[tilespmem:s1], [sflag:$0x1] =	stream.indirect_vreg.gather [hbm4b:s8+s2], $0x80, v3, vm0, $0xb8;
	[tilespmem:$0x1A080] =	vst v63  }
0x184: {  	s1 =	simm.s32 $0xBC80  }
0x185: {  	[tilespmem:s1], [sflag:$0x1] =	stream.indirect_vreg.gather [hbm4b:s9+s2], $0x80, v3, vm0, $0xb8;
	[tilespmem:$0x1A080] =	vst v63  }
0x186: {  	s1 =	simm.s32 $0xC480  }
0x187: {  	[tilespmem:s1], [sflag:$0x1] =	stream.indirect_vreg.gather [hbm4b:s10+s2], $0x80, v3, vm0, $0xb8;
	[tilespmem:$0x1A080] =	vst v63  }
0x188: {  	s1 =	simm.s32 $0xCC80  }
0x189: {  	[tilespmem:s1], [sflag:$0x1] =	stream.indirect_vreg.gather [hbm4b:s11+s2], $0x80, v3, vm1, $0xb8;
	[tilespmem:$0x1A080] =	vst v63  }
0x18a: {  	v3 =	vld [tilespmem:$0x20];
	_ =	sdelay $0x4  }
0x18b: {  	v50 =	vshrl.u32 v3, $0x3  }
0x18c: {  	v4 =	vmul.u32 $0x68, v50  }
0x18d: {  	v3 =	vand.u32 $0x7, v3  }
0x18e: {  	v3 =	vor.u32 v3, v4  }
0x18f: {  	v4 =	vperm.xlane v3, v0;
	_ =	sdelay $0x1  }
0x190: {  	v4 =	vadd.s32 v1, v4;
	_ =	sdelay $0x3  }
0x191: {  	s1 =	simm.s32 $0xD080  }
0x192: {  	[tilespmem:s1], [sflag:$0x1] =	stream.indirect_vreg.gather [hbm4b:s3+s2], $0x80, v4, vm0, $0xb8;
	[tilespmem:$0x1A080] =	vst v63  }
0x193: {  	s1 =	simm.s32 $0xD880  }
0x194: {  	[tilespmem:s1], [sflag:$0x1] =	stream.indirect_vreg.gather [hbm4b:s6+s2], $0x80, v4, vm0, $0xb8;
	[tilespmem:$0x1A080] =	vst v63  }
0x195: {  	s1 =	simm.s32 $0xE080  }
0x196: {  	[tilespmem:s1], [sflag:$0x1] =	stream.indirect_vreg.gather [hbm4b:s7+s2], $0x80, v4, vm0, $0xb8;
	[tilespmem:$0x1A080] =	vst v63  }
0x197: {  	s1 =	simm.s32 $0xE880  }
0x198: {  	[tilespmem:s1], [sflag:$0x1] =	stream.indirect_vreg.gather [hbm4b:s8+s2], $0x80, v4, vm0, $0xb8;
	[tilespmem:$0x1A080] =	vst v63  }
0x199: {  	v3 =	vperm.xlane v3, v2;
	s1 =	simm.s32 $0xF080  }
0x19a: {  	[tilespmem:s1], [sflag:$0x1] =	stream.indirect_vreg.gather [hbm4b:s9+s2], $0x80, v4, vm0, $0xb8;
	[tilespmem:$0x1A080] =	vst v63  }
0x19b: {  	s26 =	simm.s32 $0xF880;
	v3 =	vadd.s32 v1, v3  }
0x19c: {  	[tilespmem:s26], [sflag:$0x1] =	stream.indirect_vreg.gather [hbm4b:s10+s2], $0x80, v4, vm0, $0xb8;
	[tilespmem:$0x1A080] =	vst v63  }
0x19d: {  	s28 =	simm.s32 $0x10080  }
0x19e: {  	[tilespmem:s28], [sflag:$0x1] =	stream.indirect_vreg.gather [hbm4b:s11+s2], $0x80, v4, vm1, $0xb8;
	[tilespmem:$0x1A080] =	vst v63  }
0x19f: {  	s1 =	simm.s32 $0x10480  }
0x1a0: {  	[tilespmem:s1], [sflag:$0x1] =	stream.indirect_vreg.gather [hbm4b:s3+s2], $0x80, v3, vm0, $0xb8;
	[tilespmem:$0x1A080] =	vst v63  }
0x1a1: {  	s1 =	simm.s32 $0x10C80  }
0x1a2: {  	[tilespmem:s1], [sflag:$0x1] =	stream.indirect_vreg.gather [hbm4b:s6+s2], $0x80, v3, vm0, $0xb8;
	[tilespmem:$0x1A080] =	vst v63  }
0x1a3: {  	s1 =	simm.s32 $0x11480  }
0x1a4: {  	[tilespmem:s1], [sflag:$0x1] =	stream.indirect_vreg.gather [hbm4b:s7+s2], $0x80, v3, vm0, $0xb8;
	[tilespmem:$0x1A080] =	vst v63  }
0x1a5: {  	s1 =	simm.s32 $0x11C80  }
0x1a6: {  	[tilespmem:s1], [sflag:$0x1] =	stream.indirect_vreg.gather [hbm4b:s8+s2], $0x80, v3, vm0, $0xb8;
	[tilespmem:$0x1A080] =	vst v63  }
0x1a7: {  	s1 =	simm.s32 $0x12480  }
0x1a8: {  	[tilespmem:s1], [sflag:$0x1] =	stream.indirect_vreg.gather [hbm4b:s9+s2], $0x80, v3, vm0, $0xb8;
	[tilespmem:$0x1A080] =	vst v63  }
0x1a9: {  	s1 =	simm.s32 $0x12C80  }
0x1aa: {  	[tilespmem:s1], [sflag:$0x1] =	stream.indirect_vreg.gather [hbm4b:s10+s2], $0x80, v3, vm0, $0xb8;
	[tilespmem:$0x1A080] =	vst v63  }
0x1ab: {  	s1 =	simm.s32 $0x13480  }
0x1ac: {  	[tilespmem:s1], [sflag:$0x1] =	stream.indirect_vreg.gather [hbm4b:s11+s2], $0x80, v3, vm1, $0xb8;
	[tilespmem:$0x1A080] =	vst v63  }
0x1ad: {  	v3 =	vld [tilespmem:$0x30];
	_ =	sdelay $0x4  }
0x1ae: {  	v51 =	vshrl.u32 v3, $0x3  }
0x1af: {  	v4 =	vmul.u32 $0x68, v51  }
0x1b0: {  	v3 =	vand.u32 $0x7, v3  }
0x1b1: {  	v3 =	vor.u32 v3, v4  }
0x1b2: {  	v4 =	vperm.xlane v3, v0;
	_ =	sdelay $0x1  }
0x1b3: {  	v4 =	vadd.s32 v1, v4;
	_ =	sdelay $0x3  }
0x1b4: {  	s29 =	simm.s32 $0x13880  }
0x1b5: {  	[tilespmem:s29], [sflag:$0x1] =	stream.indirect_vreg.gather [hbm4b:s3+s2], $0x80, v4, vm0, $0xb8;
	[tilespmem:$0x1A080] =	vst v63  }
0x1b6: {  	s1 =	simm.s32 $0x14080  }
0x1b7: {  	[tilespmem:s1], [sflag:$0x1] =	stream.indirect_vreg.gather [hbm4b:s6+s2], $0x80, v4, vm0, $0xb8;
	[tilespmem:$0x1A080] =	vst v63  }
0x1b8: {  	s1 =	simm.s32 $0x14880  }
0x1b9: {  	[tilespmem:s1], [sflag:$0x1] =	stream.indirect_vreg.gather [hbm4b:s7+s2], $0x80, v4, vm0, $0xb8;
	[tilespmem:$0x1A080] =	vst v63  }
0x1ba: {  	s1 =	simm.s32 $0x15080  }
0x1bb: {  	[tilespmem:s1], [sflag:$0x1] =	stream.indirect_vreg.gather [hbm4b:s8+s2], $0x80, v4, vm0, $0xb8;
	[tilespmem:$0x1A080] =	vst v63  }
0x1bc: {  	v3 =	vperm.xlane v3, v2;
	s1 =	simm.s32 $0x15880  }
0x1bd: {  	[tilespmem:s1], [sflag:$0x1] =	stream.indirect_vreg.gather [hbm4b:s9+s2], $0x80, v4, vm0, $0xb8;
	[tilespmem:$0x1A080] =	vst v63  }
0x1be: {  	s30 =	simm.s32 $0x16080;
	v3 =	vadd.s32 v1, v3  }
0x1bf: {  	[tilespmem:s30], [sflag:$0x1] =	stream.indirect_vreg.gather [hbm4b:s10+s2], $0x80, v4, vm0, $0xb8;
	[tilespmem:$0x1A080] =	vst v63  }
0x1c0: {  	s1 =	simm.s32 $0x16880  }
0x1c1: {  	[tilespmem:s1], [sflag:$0x1] =	stream.indirect_vreg.gather [hbm4b:s11+s2], $0x80, v4, vm1, $0xb8;
	[tilespmem:$0x1A080] =	vst v63  }
0x1c2: {  	s1 =	simm.s32 $0x16C80  }
0x1c3: {  	[tilespmem:s1], [sflag:$0x1] =	stream.indirect_vreg.gather [hbm4b:s3+s2], $0x80, v3, vm0, $0xb8;
	[tilespmem:$0x1A080] =	vst v63  }
0x1c4: {  	s1 =	simm.s32 $0x17480  }
0x1c5: {  	[tilespmem:s1], [sflag:$0x1] =	stream.indirect_vreg.gather [hbm4b:s6+s2], $0x80, v3, vm0, $0xb8;
	[tilespmem:$0x1A080] =	vst v63  }
0x1c6: {  	s1 =	simm.s32 $0x17C80  }
0x1c7: {  	[tilespmem:s1], [sflag:$0x1] =	stream.indirect_vreg.gather [hbm4b:s7+s2], $0x80, v3, vm0, $0xb8;
	[tilespmem:$0x1A080] =	vst v63  }
0x1c8: {  	s1 =	simm.s32 $0x18480  }
0x1c9: {  	[tilespmem:s1], [sflag:$0x1] =	stream.indirect_vreg.gather [hbm4b:s8+s2], $0x80, v3, vm0, $0xb8;
	[tilespmem:$0x1A080] =	vst v63  }
0x1ca: {  	s1 =	simm.s32 $0x18C80  }
0x1cb: {  	[tilespmem:s1], [sflag:$0x1] =	stream.indirect_vreg.gather [hbm4b:s9+s2], $0x80, v3, vm0, $0xb8;
	[tilespmem:$0x1A080] =	vst v63  }
0x1cc: {  	s1 =	simm.s32 $0x19480  }
0x1cd: {  	[tilespmem:s1], [sflag:$0x1] =	stream.indirect_vreg.gather [hbm4b:s10+s2], $0x80, v3, vm0, $0xb8;
	[tilespmem:$0x1A080] =	vst v63  }
0x1ce: {  	s1 =	simm.s32 $0x19C80  }
0x1cf: {  	[tilespmem:s1], [sflag:$0x1] =	stream.indirect_vreg.gather [hbm4b:s11+s2], $0x80, v3, vm1, $0xb8;
	[tilespmem:$0x1A080] =	vst v63  }
0x1d0: {  	_ =	swait.ge [sflag:s31], $0x1A000  }
0x1d1: {  	[sflag:s31] =	ssyncset.done $0x0  }
0x1d2: {  	s1 =	rddreg [dreg:$0x6];
	[sflag:s31] =	ssyncadd.s32 $0xFFFE6000  }
0x1d3: {  	[hbm4b:s1+s2] =	stream.linear.scatter [tilespmem:s25], [sflag:$0x2], $0x1A000, $0x38;
	[tilespmem:$0x1A080] =	vst v63  }
0x1d4: {  	_ =	swait.ge [sflag:s13], $0x1A000  }
0x1d5: {  	[sflag:s13] =	ssyncset.done $0x0  }
0x1d6: {  	s1 =	rddreg [dreg:$0x7];
	[sflag:s13] =	ssyncadd.s32 $0xFFFE6000  }
0x1d7: {  	[tilespmem:s2], [sflag:$0x2] =	stream.linear.gather [hbm4b:s1+s2], $0x40, $0x38;
	[tilespmem:$0x1A080] =	vst v63  }
0x1d8: {  	_ =	swait.ge [sflag:s13], $0x40  }
0x1d9: {  	[sflag:s13] =	ssyncset.done $0x0  }
0x1da: {  	[sflag:s13] =	ssyncadd.s32 $0xFFFFFFC0  }
0x1db: {  	v3 =	vld [tilespmem:$0x0];
	_ =	sdelay $0x4  }
0x1dc: {  	v52 =	vshrl.u32 v3, $0x3  }
0x1dd: {  	v4 =	vmul.u32 $0x68, v52  }
0x1de: {  	v3 =	vand.u32 $0x7, v3  }
0x1df: {  	v3 =	vor.u32 v3, v4  }
0x1e0: {  	v4 =	vperm.xlane v3, v0;
	_ =	sdelay $0x1  }
0x1e1: {  	v4 =	vadd.s32 v1, v4;
	_ =	sdelay $0x4  }
0x1e2: {  	[tilespmem:s25], [sflag:$0x1] =	stream.indirect_vreg.gather [hbm4b:s3+s2], $0x80, v4, vm0, $0xb8;
	[tilespmem:$0x1A080] =	vst v63  }
0x1e3: {  	s1 =	simm.s32 $0x880  }
0x1e4: {  	[tilespmem:s1], [sflag:$0x1] =	stream.indirect_vreg.gather [hbm4b:s6+s2], $0x80, v4, vm0, $0xb8;
	[tilespmem:$0x1A080] =	vst v63  }
0x1e5: {  	s4 =	simm.s32 $0x1080  }
0x1e6: {  	[tilespmem:s4], [sflag:$0x1] =	stream.indirect_vreg.gather [hbm4b:s7+s2], $0x80, v4, vm0, $0xb8;
	[tilespmem:$0x1A080] =	vst v63  }
0x1e7: {  	s4 =	simm.s32 $0x1880  }
0x1e8: {  	[tilespmem:s4], [sflag:$0x1] =	stream.indirect_vreg.gather [hbm4b:s8+s2], $0x80, v4, vm0, $0xb8;
	[tilespmem:$0x1A080] =	vst v63  }
0x1e9: {  	v3 =	vperm.xlane v3, v2;
	s4 =	simm.s32 $0x2080  }
0x1ea: {  	[tilespmem:s4], [sflag:$0x1] =	stream.indirect_vreg.gather [hbm4b:s9+s2], $0x80, v4, vm0, $0xb8;
	[tilespmem:$0x1A080] =	vst v63  }
0x1eb: {  	s5 =	simm.s32 $0x2880;
	v3 =	vadd.s32 v1, v3  }
0x1ec: {  	[tilespmem:s5], [sflag:$0x1] =	stream.indirect_vreg.gather [hbm4b:s10+s2], $0x80, v4, vm0, $0xb8;
	[tilespmem:$0x1A080] =	vst v63  }
0x1ed: {  	s14 =	simm.s32 $0x3080  }
0x1ee: {  	[tilespmem:s14], [sflag:$0x1] =	stream.indirect_vreg.gather [hbm4b:s11+s2], $0x80, v4, vm1, $0xb8;
	[tilespmem:$0x1A080] =	vst v63  }
0x1ef: {  	s15 =	simm.s32 $0x3480  }
0x1f0: {  	[tilespmem:s15], [sflag:$0x1] =	stream.indirect_vreg.gather [hbm4b:s3+s2], $0x80, v3, vm0, $0xb8;
	[tilespmem:$0x1A080] =	vst v63  }
0x1f1: {  	s16 =	simm.s32 $0x3C80  }
0x1f2: {  	[tilespmem:s16], [sflag:$0x1] =	stream.indirect_vreg.gather [hbm4b:s6+s2], $0x80, v3, vm0, $0xb8;
	[tilespmem:$0x1A080] =	vst v63  }
0x1f3: {  	s17 =	simm.s32 $0x4480  }
0x1f4: {  	[tilespmem:s17], [sflag:$0x1] =	stream.indirect_vreg.gather [hbm4b:s7+s2], $0x80, v3, vm0, $0xb8;
	[tilespmem:$0x1A080] =	vst v63  }
0x1f5: {  	s18 =	simm.s32 $0x4C80  }
0x1f6: {  	[tilespmem:s18], [sflag:$0x1] =	stream.indirect_vreg.gather [hbm4b:s8+s2], $0x80, v3, vm0, $0xb8;
	[tilespmem:$0x1A080] =	vst v63  }
0x1f7: {  	s19 =	simm.s32 $0x5480  }
0x1f8: {  	[tilespmem:s19], [sflag:$0x1] =	stream.indirect_vreg.gather [hbm4b:s9+s2], $0x80, v3, vm0, $0xb8;
	[tilespmem:$0x1A080] =	vst v63  }
0x1f9: {  	s20 =	simm.s32 $0x5C80  }
0x1fa: {  	[tilespmem:s20], [sflag:$0x1] =	stream.indirect_vreg.gather [hbm4b:s10+s2], $0x80, v3, vm0, $0xb8;
	[tilespmem:$0x1A080] =	vst v63  }
0x1fb: {  	s18 =	simm.s32 $0x6480  }
0x1fc: {  	[tilespmem:s18], [sflag:$0x1] =	stream.indirect_vreg.gather [hbm4b:s11+s2], $0x80, v3, vm1, $0xb8;
	[tilespmem:$0x1A080] =	vst v63  }
0x1fd: {  	v3 =	vld [tilespmem:$0x10];
	_ =	sdelay $0x4  }
0x1fe: {  	v53 =	vshrl.u32 v3, $0x3  }
0x1ff: {  	v4 =	vmul.u32 $0x68, v53  }
0x200: {  	v3 =	vand.u32 $0x7, v3  }
0x201: {  	v3 =	vor.u32 v3, v4  }
0x202: {  	v4 =	vperm.xlane v3, v0;
	_ =	sdelay $0x1  }
0x203: {  	v4 =	vadd.s32 v1, v4;
	_ =	sdelay $0x3  }
0x204: {  	s21 =	simm.s32 $0x6880  }
0x205: {  	[tilespmem:s21], [sflag:$0x1] =	stream.indirect_vreg.gather [hbm4b:s3+s2], $0x80, v4, vm0, $0xb8;
	[tilespmem:$0x1A080] =	vst v63  }
0x206: {  	s22 =	simm.s32 $0x7080  }
0x207: {  	[tilespmem:s22], [sflag:$0x1] =	stream.indirect_vreg.gather [hbm4b:s6+s2], $0x80, v4, vm0, $0xb8;
	[tilespmem:$0x1A080] =	vst v63  }
0x208: {  	s23 =	simm.s32 $0x7880  }
0x209: {  	[tilespmem:s23], [sflag:$0x1] =	stream.indirect_vreg.gather [hbm4b:s7+s2], $0x80, v4, vm0, $0xb8;
	[tilespmem:$0x1A080] =	vst v63  }
0x20a: {  	s24 =	simm.s32 $0x8080  }
0x20b: {  	[tilespmem:s24], [sflag:$0x1] =	stream.indirect_vreg.gather [hbm4b:s8+s2], $0x80, v4, vm0, $0xb8;
	[tilespmem:$0x1A080] =	vst v63  }
0x20c: {  	s19 =	simm.s32 $0x8880;
	v3 =	vperm.xlane v3, v2  }
0x20d: {  	[tilespmem:s19], [sflag:$0x1] =	stream.indirect_vreg.gather [hbm4b:s9+s2], $0x80, v4, vm0, $0xb8;
	[tilespmem:$0x1A080] =	vst v63  }
0x20e: {  	s0 =	simm.s32 $0x9080;
	v3 =	vadd.s32 v1, v3  }
0x20f: {  	[tilespmem:s0], [sflag:$0x1] =	stream.indirect_vreg.gather [hbm4b:s10+s2], $0x80, v4, vm0, $0xb8;
	[tilespmem:$0x1A080] =	vst v63  }
0x210: {  	s20 =	simm.s32 $0x9880  }
0x211: {  	[tilespmem:s20], [sflag:$0x1] =	stream.indirect_vreg.gather [hbm4b:s11+s2], $0x80, v4, vm1, $0xb8;
	[tilespmem:$0x1A080] =	vst v63  }
0x212: {  	s21 =	simm.s32 $0x9C80  }
0x213: {  	[tilespmem:s21], [sflag:$0x1] =	stream.indirect_vreg.gather [hbm4b:s3+s2], $0x80, v3, vm0, $0xb8;
	[tilespmem:$0x1A080] =	vst v63  }
0x214: {  	s22 =	simm.s32 $0xA480  }
0x215: {  	[tilespmem:s22], [sflag:$0x1] =	stream.indirect_vreg.gather [hbm4b:s6+s2], $0x80, v3, vm0, $0xb8;
	[tilespmem:$0x1A080] =	vst v63  }
0x216: {  	s23 =	simm.s32 $0xAC80  }
0x217: {  	[tilespmem:s23], [sflag:$0x1] =	stream.indirect_vreg.gather [hbm4b:s7+s2], $0x80, v3, vm0, $0xb8;
	[tilespmem:$0x1A080] =	vst v63  }
0x218: {  	s24 =	simm.s32 $0xB480  }
0x219: {  	[tilespmem:s24], [sflag:$0x1] =	stream.indirect_vreg.gather [hbm4b:s8+s2], $0x80, v3, vm0, $0xb8;
	[tilespmem:$0x1A080] =	vst v63  }
0x21a: {  	s1 =	simm.s32 $0xBC80  }
0x21b: {  	[tilespmem:s1], [sflag:$0x1] =	stream.indirect_vreg.gather [hbm4b:s9+s2], $0x80, v3, vm0, $0xb8;
	[tilespmem:$0x1A080] =	vst v63  }
0x21c: {  	s5 =	simm.s32 $0xC480  }
0x21d: {  	[tilespmem:s5], [sflag:$0x1] =	stream.indirect_vreg.gather [hbm4b:s10+s2], $0x80, v3, vm0, $0xb8;
	[tilespmem:$0x1A080] =	vst v63  }
0x21e: {  	s14 =	simm.s32 $0xCC80  }
0x21f: {  	[tilespmem:s14], [sflag:$0x1] =	stream.indirect_vreg.gather [hbm4b:s11+s2], $0x80, v3, vm1, $0xb8;
	[tilespmem:$0x1A080] =	vst v63  }
0x220: {  	v3 =	vld [tilespmem:$0x20];
	_ =	sdelay $0x4  }
0x221: {  	v54 =	vshrl.u32 v3, $0x3  }
0x222: {  	v4 =	vmul.u32 $0x68, v54  }
0x223: {  	v3 =	vand.u32 $0x7, v3  }
0x224: {  	v3 =	vor.u32 v3, v4  }
0x225: {  	v4 =	vperm.xlane v3, v0;
	_ =	sdelay $0x1  }
0x226: {  	v4 =	vadd.s32 v1, v4;
	_ =	sdelay $0x3  }
0x227: {  	s15 =	simm.s32 $0xD080  }
0x228: {  	[tilespmem:s15], [sflag:$0x1] =	stream.indirect_vreg.gather [hbm4b:s3+s2], $0x80, v4, vm0, $0xb8;
	[tilespmem:$0x1A080] =	vst v63  }
0x229: {  	s16 =	simm.s32 $0xD880  }
0x22a: {  	[tilespmem:s16], [sflag:$0x1] =	stream.indirect_vreg.gather [hbm4b:s6+s2], $0x80, v4, vm0, $0xb8;
	[tilespmem:$0x1A080] =	vst v63  }
0x22b: {  	s17 =	simm.s32 $0xE080  }
0x22c: {  	[tilespmem:s17], [sflag:$0x1] =	stream.indirect_vreg.gather [hbm4b:s7+s2], $0x80, v4, vm0, $0xb8;
	[tilespmem:$0x1A080] =	vst v63  }
0x22d: {  	s18 =	simm.s32 $0xE880  }
0x22e: {  	[tilespmem:s18], [sflag:$0x1] =	stream.indirect_vreg.gather [hbm4b:s8+s2], $0x80, v4, vm0, $0xb8;
	[tilespmem:$0x1A080] =	vst v63  }
0x22f: {  	s19 =	simm.s32 $0xF080;
	v3 =	vperm.xlane v3, v2  }
0x230: {  	[tilespmem:s19], [sflag:$0x1] =	stream.indirect_vreg.gather [hbm4b:s9+s2], $0x80, v4, vm0, $0xb8;
	[tilespmem:$0x1A080] =	vst v63  }
0x231: {  	s26 =	simm.s32 $0xF880;
	v3 =	vadd.s32 v1, v3  }
0x232: {  	[tilespmem:s26], [sflag:$0x1] =	stream.indirect_vreg.gather [hbm4b:s10+s2], $0x80, v4, vm0, $0xb8;
	[tilespmem:$0x1A080] =	vst v63  }
0x233: {  	s28 =	simm.s32 $0x10080  }
0x234: {  	[tilespmem:s28], [sflag:$0x1] =	stream.indirect_vreg.gather [hbm4b:s11+s2], $0x80, v4, vm1, $0xb8;
	[tilespmem:$0x1A080] =	vst v63  }
0x235: {  	s20 =	simm.s32 $0x10480  }
0x236: {  	[tilespmem:s20], [sflag:$0x1] =	stream.indirect_vreg.gather [hbm4b:s3+s2], $0x80, v3, vm0, $0xb8;
	[tilespmem:$0x1A080] =	vst v63  }
0x237: {  	s21 =	simm.s32 $0x10C80  }
0x238: {  	[tilespmem:s21], [sflag:$0x1] =	stream.indirect_vreg.gather [hbm4b:s6+s2], $0x80, v3, vm0, $0xb8;
	[tilespmem:$0x1A080] =	vst v63  }
0x239: {  	s22 =	simm.s32 $0x11480  }
0x23a: {  	[tilespmem:s22], [sflag:$0x1] =	stream.indirect_vreg.gather [hbm4b:s7+s2], $0x80, v3, vm0, $0xb8;
	[tilespmem:$0x1A080] =	vst v63  }
0x23b: {  	s23 =	simm.s32 $0x11C80  }
0x23c: {  	[tilespmem:s23], [sflag:$0x1] =	stream.indirect_vreg.gather [hbm4b:s8+s2], $0x80, v3, vm0, $0xb8;
	[tilespmem:$0x1A080] =	vst v63  }
0x23d: {  	s24 =	simm.s32 $0x12480  }
0x23e: {  	[tilespmem:s24], [sflag:$0x1] =	stream.indirect_vreg.gather [hbm4b:s9+s2], $0x80, v3, vm0, $0xb8;
	[tilespmem:$0x1A080] =	vst v63  }
0x23f: {  	s26 =	simm.s32 $0x12C80  }
0x240: {  	[tilespmem:s26], [sflag:$0x1] =	stream.indirect_vreg.gather [hbm4b:s10+s2], $0x80, v3, vm0, $0xb8;
	[tilespmem:$0x1A080] =	vst v63  }
0x241: {  	s28 =	simm.s32 $0x13480  }
0x242: {  	[tilespmem:s28], [sflag:$0x1] =	stream.indirect_vreg.gather [hbm4b:s11+s2], $0x80, v3, vm1, $0xb8;
	[tilespmem:$0x1A080] =	vst v63  }
0x243: {  	v3 =	vld [tilespmem:$0x30];
	_ =	sdelay $0x4  }
0x244: {  	v55 =	vshrl.u32 v3, $0x3  }
0x245: {  	v4 =	vmul.u32 $0x68, v55  }
0x246: {  	v3 =	vand.u32 $0x7, v3  }
0x247: {  	v3 =	vor.u32 v3, v4  }
0x248: {  	v4 =	vperm.xlane v3, v0;
	_ =	sdelay $0x1  }
0x249: {  	v4 =	vadd.s32 v1, v4;
	_ =	sdelay $0x3  }
0x24a: {  	s29 =	simm.s32 $0x13880  }
0x24b: {  	[tilespmem:s29], [sflag:$0x1] =	stream.indirect_vreg.gather [hbm4b:s3+s2], $0x80, v4, vm0, $0xb8;
	[tilespmem:$0x1A080] =	vst v63  }
0x24c: {  	s1 =	simm.s32 $0x14080  }
0x24d: {  	[tilespmem:s1], [sflag:$0x1] =	stream.indirect_vreg.gather [hbm4b:s6+s2], $0x80, v4, vm0, $0xb8;
	[tilespmem:$0x1A080] =	vst v63  }
0x24e: {  	s5 =	simm.s32 $0x14880  }
0x24f: {  	[tilespmem:s5], [sflag:$0x1] =	stream.indirect_vreg.gather [hbm4b:s7+s2], $0x80, v4, vm0, $0xb8;
	[tilespmem:$0x1A080] =	vst v63  }
0x250: {  	s14 =	simm.s32 $0x15080  }
0x251: {  	[tilespmem:s14], [sflag:$0x1] =	stream.indirect_vreg.gather [hbm4b:s8+s2], $0x80, v4, vm0, $0xb8;
	[tilespmem:$0x1A080] =	vst v63  }
0x252: {  	s15 =	simm.s32 $0x15880;
	v3 =	vperm.xlane v3, v2  }
0x253: {  	[tilespmem:s15], [sflag:$0x1] =	stream.indirect_vreg.gather [hbm4b:s9+s2], $0x80, v4, vm0, $0xb8;
	[tilespmem:$0x1A080] =	vst v63  }
0x254: {  	s30 =	simm.s32 $0x16080;
	v3 =	vadd.s32 v1, v3  }
0x255: {  	[tilespmem:s30], [sflag:$0x1] =	stream.indirect_vreg.gather [hbm4b:s10+s2], $0x80, v4, vm0, $0xb8;
	[tilespmem:$0x1A080] =	vst v63  }
0x256: {  	s16 =	simm.s32 $0x16880  }
0x257: {  	[tilespmem:s16], [sflag:$0x1] =	stream.indirect_vreg.gather [hbm4b:s11+s2], $0x80, v4, vm1, $0xb8;
	[tilespmem:$0x1A080] =	vst v63  }
0x258: {  	s17 =	simm.s32 $0x16C80  }
0x259: {  	[tilespmem:s17], [sflag:$0x1] =	stream.indirect_vreg.gather [hbm4b:s3+s2], $0x80, v3, vm0, $0xb8;
	[tilespmem:$0x1A080] =	vst v63  }
0x25a: {  	s18 =	simm.s32 $0x17480  }
0x25b: {  	[tilespmem:s18], [sflag:$0x1] =	stream.indirect_vreg.gather [hbm4b:s6+s2], $0x80, v3, vm0, $0xb8;
	[tilespmem:$0x1A080] =	vst v63  }
0x25c: {  	s19 =	simm.s32 $0x17C80  }
0x25d: {  	[tilespmem:s19], [sflag:$0x1] =	stream.indirect_vreg.gather [hbm4b:s7+s2], $0x80, v3, vm0, $0xb8;
	[tilespmem:$0x1A080] =	vst v63  }
0x25e: {  	s20 =	simm.s32 $0x18480  }
0x25f: {  	[tilespmem:s20], [sflag:$0x1] =	stream.indirect_vreg.gather [hbm4b:s8+s2], $0x80, v3, vm0, $0xb8;
	[tilespmem:$0x1A080] =	vst v63  }
0x260: {  	s21 =	simm.s32 $0x18C80  }
0x261: {  	[tilespmem:s21], [sflag:$0x1] =	stream.indirect_vreg.gather [hbm4b:s9+s2], $0x80, v3, vm0, $0xb8;
	[tilespmem:$0x1A080] =	vst v63  }
0x262: {  	s22 =	simm.s32 $0x19480  }
0x263: {  	[tilespmem:s22], [sflag:$0x1] =	stream.indirect_vreg.gather [hbm4b:s10+s2], $0x80, v3, vm0, $0xb8;
	[tilespmem:$0x1A080] =	vst v63  }
0x264: {  	s23 =	simm.s32 $0x19C80  }
0x265: {  	[tilespmem:s23], [sflag:$0x1] =	stream.indirect_vreg.gather [hbm4b:s11+s2], $0x80, v3, vm1, $0xb8;
	[tilespmem:$0x1A080] =	vst v63  }
0x266: {  	_ =	swait.ge [sflag:s31], $0x1A000  }
0x267: {  	[sflag:s31] =	ssyncset.done $0x0  }
0x268: {  	s24 =	rddreg [dreg:$0x8];
	[sflag:s31] =	ssyncadd.s32 $0xFFFE6000  }
0x269: {  	[hbm4b:s24+s2] =	stream.linear.scatter [tilespmem:s25], [sflag:$0x2], $0x1A000, $0x38;
	[tilespmem:$0x1A080] =	vst v63  }
0x26a: {  	_ =	swait.ge [sflag:s13], $0x1A000  }
0x26b: {  	[sflag:s13] =	ssyncset.done $0x0  }
0x26c: {  	s26 =	rddreg [dreg:$0x9];
	[sflag:s13] =	ssyncadd.s32 $0xFFFE6000  }
0x26d: {  	[tilespmem:s2], [sflag:$0x2] =	stream.linear.gather [hbm4b:s26+s2], $0x40, $0x38;
	[tilespmem:$0x1A080] =	vst v63  }
0x26e: {  	_ =	swait.ge [sflag:s13], $0x40  }
0x26f: {  	[sflag:s13] =	ssyncset.done $0x0  }
0x270: {  	[sflag:s13] =	ssyncadd.s32 $0xFFFFFFC0  }
0x271: {  	v3 =	vld [tilespmem:$0x0];
	_ =	sdelay $0x4  }
0x272: {  	v56 =	vshrl.u32 v3, $0x3  }
0x273: {  	v4 =	vmul.u32 $0x68, v56  }
0x274: {  	v3 =	vand.u32 $0x7, v3  }
0x275: {  	v3 =	vor.u32 v3, v4  }
0x276: {  	v4 =	vperm.xlane v3, v0;
	_ =	sdelay $0x1  }
0x277: {  	v4 =	vadd.s32 v1, v4;
	_ =	sdelay $0x4  }
0x278: {  	[tilespmem:s25], [sflag:$0x1] =	stream.indirect_vreg.gather [hbm4b:s3+s2], $0x80, v4, vm0, $0xb8;
	[tilespmem:$0x1A080] =	vst v63  }
0x279: {  	s28 =	simm.s32 $0x880  }
0x27a: {  	[tilespmem:s28], [sflag:$0x1] =	stream.indirect_vreg.gather [hbm4b:s6+s2], $0x80, v4, vm0, $0xb8;
	[tilespmem:$0x1A080] =	vst v63  }
0x27b: {  	s29 =	simm.s32 $0x1080  }
0x27c: {  	[tilespmem:s29], [sflag:$0x1] =	stream.indirect_vreg.gather [hbm4b:s7+s2], $0x80, v4, vm0, $0xb8;
	[tilespmem:$0x1A080] =	vst v63  }
0x27d: {  	s30 =	simm.s32 $0x1880  }
0x27e: {  	[tilespmem:s30], [sflag:$0x1] =	stream.indirect_vreg.gather [hbm4b:s8+s2], $0x80, v4, vm0, $0xb8;
	[tilespmem:$0x1A080] =	vst v63  }
0x27f: {  	s14 =	simm.s32 $0x2080;
	v3 =	vperm.xlane v3, v2  }
0x280: {  	[tilespmem:s14], [sflag:$0x1] =	stream.indirect_vreg.gather [hbm4b:s9+s2], $0x80, v4, vm0, $0xb8;
	[tilespmem:$0x1A080] =	vst v63  }
0x281: {  	s15 =	simm.s32 $0x2880;
	v3 =	vadd.s32 v1, v3  }
0x282: {  	[tilespmem:s15], [sflag:$0x1] =	stream.indirect_vreg.gather [hbm4b:s10+s2], $0x80, v4, vm0, $0xb8;
	[tilespmem:$0x1A080] =	vst v63  }
0x283: {  	s16 =	simm.s32 $0x3080  }
0x284: {  	[tilespmem:s16], [sflag:$0x1] =	stream.indirect_vreg.gather [hbm4b:s11+s2], $0x80, v4, vm1, $0xb8;
	[tilespmem:$0x1A080] =	vst v63  }
0x285: {  	s17 =	simm.s32 $0x3480  }
0x286: {  	[tilespmem:s17], [sflag:$0x1] =	stream.indirect_vreg.gather [hbm4b:s3+s2], $0x80, v3, vm0, $0xb8;
	[tilespmem:$0x1A080] =	vst v63  }
0x287: {  	s18 =	simm.s32 $0x3C80  }
0x288: {  	[tilespmem:s18], [sflag:$0x1] =	stream.indirect_vreg.gather [hbm4b:s6+s2], $0x80, v3, vm0, $0xb8;
	[tilespmem:$0x1A080] =	vst v63  }
0x289: {  	s19 =	simm.s32 $0x4480  }
0x28a: {  	[tilespmem:s19], [sflag:$0x1] =	stream.indirect_vreg.gather [hbm4b:s7+s2], $0x80, v3, vm0, $0xb8;
	[tilespmem:$0x1A080] =	vst v63  }
0x28b: {  	s20 =	simm.s32 $0x4C80  }
0x28c: {  	[tilespmem:s20], [sflag:$0x1] =	stream.indirect_vreg.gather [hbm4b:s8+s2], $0x80, v3, vm0, $0xb8;
	[tilespmem:$0x1A080] =	vst v63  }
0x28d: {  	s21 =	simm.s32 $0x5480  }
0x28e: {  	[tilespmem:s21], [sflag:$0x1] =	stream.indirect_vreg.gather [hbm4b:s9+s2], $0x80, v3, vm0, $0xb8;
	[tilespmem:$0x1A080] =	vst v63  }
0x28f: {  	s22 =	simm.s32 $0x5C80  }
0x290: {  	[tilespmem:s22], [sflag:$0x1] =	stream.indirect_vreg.gather [hbm4b:s10+s2], $0x80, v3, vm0, $0xb8;
	[tilespmem:$0x1A080] =	vst v63  }
0x291: {  	s23 =	simm.s32 $0x6480  }
0x292: {  	[tilespmem:s23], [sflag:$0x1] =	stream.indirect_vreg.gather [hbm4b:s11+s2], $0x80, v3, vm1, $0xb8;
	[tilespmem:$0x1A080] =	vst v63  }
0x293: {  	v3 =	vld [tilespmem:$0x10];
	_ =	sdelay $0x4  }
0x294: {  	v57 =	vshrl.u32 v3, $0x3  }
0x295: {  	v4 =	vmul.u32 $0x68, v57  }
0x296: {  	v3 =	vand.u32 $0x7, v3  }
0x297: {  	v3 =	vor.u32 v3, v4  }
0x298: {  	v4 =	vperm.xlane v3, v0;
	_ =	sdelay $0x1  }
0x299: {  	v4 =	vadd.s32 v1, v4;
	_ =	sdelay $0x3  }
0x29a: {  	s24 =	simm.s32 $0x6880  }
0x29b: {  	[tilespmem:s24], [sflag:$0x1] =	stream.indirect_vreg.gather [hbm4b:s3+s2], $0x80, v4, vm0, $0xb8;
	[tilespmem:$0x1A080] =	vst v63  }
0x29c: {  	s26 =	simm.s32 $0x7080  }
0x29d: {  	[tilespmem:s26], [sflag:$0x1] =	stream.indirect_vreg.gather [hbm4b:s6+s2], $0x80, v4, vm0, $0xb8;
	[tilespmem:$0x1A080] =	vst v63  }
0x29e: {  	s28 =	simm.s32 $0x7880  }
0x29f: {  	[tilespmem:s28], [sflag:$0x1] =	stream.indirect_vreg.gather [hbm4b:s7+s2], $0x80, v4, vm0, $0xb8;
	[tilespmem:$0x1A080] =	vst v63  }
0x2a0: {  	s29 =	simm.s32 $0x8080  }
0x2a1: {  	[tilespmem:s29], [sflag:$0x1] =	stream.indirect_vreg.gather [hbm4b:s8+s2], $0x80, v4, vm0, $0xb8;
	[tilespmem:$0x1A080] =	vst v63  }
0x2a2: {  	s30 =	simm.s32 $0x8880;
	v3 =	vperm.xlane v3, v2  }
0x2a3: {  	[tilespmem:s30], [sflag:$0x1] =	stream.indirect_vreg.gather [hbm4b:s9+s2], $0x80, v4, vm0, $0xb8;
	[tilespmem:$0x1A080] =	vst v63  }
0x2a4: {  	s4 =	simm.s32 $0x9080;
	v3 =	vadd.s32 v1, v3  }
0x2a5: {  	[tilespmem:s4], [sflag:$0x1] =	stream.indirect_vreg.gather [hbm4b:s10+s2], $0x80, v4, vm0, $0xb8;
	[tilespmem:$0x1A080] =	vst v63  }
0x2a6: {  	s28 =	simm.s32 $0x9880  }
0x2a7: {  	[tilespmem:s28], [sflag:$0x1] =	stream.indirect_vreg.gather [hbm4b:s11+s2], $0x80, v4, vm1, $0xb8;
	[tilespmem:$0x1A080] =	vst v63  }
0x2a8: {  	s29 =	simm.s32 $0x9C80  }
0x2a9: {  	[tilespmem:s29], [sflag:$0x1] =	stream.indirect_vreg.gather [hbm4b:s3+s2], $0x80, v3, vm0, $0xb8;
	[tilespmem:$0x1A080] =	vst v63  }
0x2aa: {  	s30 =	simm.s32 $0xA480  }
0x2ab: {  	[tilespmem:s30], [sflag:$0x1] =	stream.indirect_vreg.gather [hbm4b:s6+s2], $0x80, v3, vm0, $0xb8;
	[tilespmem:$0x1A080] =	vst v63  }
0x2ac: {  	s1 =	simm.s32 $0xAC80  }
0x2ad: {  	[tilespmem:s1], [sflag:$0x1] =	stream.indirect_vreg.gather [hbm4b:s7+s2], $0x80, v3, vm0, $0xb8;
	[tilespmem:$0x1A080] =	vst v63  }
0x2ae: {  	s1 =	simm.s32 $0xB480  }
0x2af: {  	[tilespmem:s1], [sflag:$0x1] =	stream.indirect_vreg.gather [hbm4b:s8+s2], $0x80, v3, vm0, $0xb8;
	[tilespmem:$0x1A080] =	vst v63  }
0x2b0: {  	s1 =	simm.s32 $0xBC80  }
0x2b1: {  	[tilespmem:s1], [sflag:$0x1] =	stream.indirect_vreg.gather [hbm4b:s9+s2], $0x80, v3, vm0, $0xb8;
	[tilespmem:$0x1A080] =	vst v63  }
0x2b2: {  	s1 =	simm.s32 $0xC480  }
0x2b3: {  	[tilespmem:s1], [sflag:$0x1] =	stream.indirect_vreg.gather [hbm4b:s10+s2], $0x80, v3, vm0, $0xb8;
	[tilespmem:$0x1A080] =	vst v63  }
0x2b4: {  	s1 =	simm.s32 $0xCC80  }
0x2b5: {  	[tilespmem:s1], [sflag:$0x1] =	stream.indirect_vreg.gather [hbm4b:s11+s2], $0x80, v3, vm1, $0xb8;
	[tilespmem:$0x1A080] =	vst v63  }
0x2b6: {  	v3 =	vld [tilespmem:$0x20];
	_ =	sdelay $0x4  }
0x2b7: {  	v58 =	vshrl.u32 v3, $0x3  }
0x2b8: {  	v4 =	vmul.u32 $0x68, v58  }
0x2b9: {  	v3 =	vand.u32 $0x7, v3  }
0x2ba: {  	v3 =	vor.u32 v3, v4  }
0x2bb: {  	v4 =	vperm.xlane v3, v0;
	_ =	sdelay $0x1  }
0x2bc: {  	v4 =	vadd.s32 v1, v4;
	_ =	sdelay $0x3  }
0x2bd: {  	s1 =	simm.s32 $0xD080  }
0x2be: {  	[tilespmem:s1], [sflag:$0x1] =	stream.indirect_vreg.gather [hbm4b:s3+s2], $0x80, v4, vm0, $0xb8;
	[tilespmem:$0x1A080] =	vst v63  }
0x2bf: {  	s1 =	simm.s32 $0xD880  }
0x2c0: {  	[tilespmem:s1], [sflag:$0x1] =	stream.indirect_vreg.gather [hbm4b:s6+s2], $0x80, v4, vm0, $0xb8;
	[tilespmem:$0x1A080] =	vst v63  }
0x2c1: {  	s1 =	simm.s32 $0xE080  }
0x2c2: {  	[tilespmem:s1], [sflag:$0x1] =	stream.indirect_vreg.gather [hbm4b:s7+s2], $0x80, v4, vm0, $0xb8;
	[tilespmem:$0x1A080] =	vst v63  }
0x2c3: {  	s1 =	simm.s32 $0xE880  }
0x2c4: {  	[tilespmem:s1], [sflag:$0x1] =	stream.indirect_vreg.gather [hbm4b:s8+s2], $0x80, v4, vm0, $0xb8;
	[tilespmem:$0x1A080] =	vst v63  }
0x2c5: {  	v3 =	vperm.xlane v3, v2;
	s1 =	simm.s32 $0xF080  }
0x2c6: {  	[tilespmem:s1], [sflag:$0x1] =	stream.indirect_vreg.gather [hbm4b:s9+s2], $0x80, v4, vm0, $0xb8;
	[tilespmem:$0x1A080] =	vst v63  }
0x2c7: {  	v3 =	vadd.s32 v1, v3;
	s1 =	simm.s32 $0xF880  }
0x2c8: {  	[tilespmem:s1], [sflag:$0x1] =	stream.indirect_vreg.gather [hbm4b:s10+s2], $0x80, v4, vm0, $0xb8;
	[tilespmem:$0x1A080] =	vst v63  }
0x2c9: {  	s1 =	simm.s32 $0x10080  }
0x2ca: {  	[tilespmem:s1], [sflag:$0x1] =	stream.indirect_vreg.gather [hbm4b:s11+s2], $0x80, v4, vm1, $0xb8;
	[tilespmem:$0x1A080] =	vst v63  }
0x2cb: {  	s1 =	simm.s32 $0x10480  }
0x2cc: {  	[tilespmem:s1], [sflag:$0x1] =	stream.indirect_vreg.gather [hbm4b:s3+s2], $0x80, v3, vm0, $0xb8;
	[tilespmem:$0x1A080] =	vst v63  }
0x2cd: {  	s1 =	simm.s32 $0x10C80  }
0x2ce: {  	[tilespmem:s1], [sflag:$0x1] =	stream.indirect_vreg.gather [hbm4b:s6+s2], $0x80, v3, vm0, $0xb8;
	[tilespmem:$0x1A080] =	vst v63  }
0x2cf: {  	s1 =	simm.s32 $0x11480  }
0x2d0: {  	[tilespmem:s1], [sflag:$0x1] =	stream.indirect_vreg.gather [hbm4b:s7+s2], $0x80, v3, vm0, $0xb8;
	[tilespmem:$0x1A080] =	vst v63  }
0x2d1: {  	s1 =	simm.s32 $0x11C80  }
0x2d2: {  	[tilespmem:s1], [sflag:$0x1] =	stream.indirect_vreg.gather [hbm4b:s8+s2], $0x80, v3, vm0, $0xb8;
	[tilespmem:$0x1A080] =	vst v63  }
0x2d3: {  	s1 =	simm.s32 $0x12480  }
0x2d4: {  	[tilespmem:s1], [sflag:$0x1] =	stream.indirect_vreg.gather [hbm4b:s9+s2], $0x80, v3, vm0, $0xb8;
	[tilespmem:$0x1A080] =	vst v63  }
0x2d5: {  	s1 =	simm.s32 $0x12C80  }
0x2d6: {  	[tilespmem:s1], [sflag:$0x1] =	stream.indirect_vreg.gather [hbm4b:s10+s2], $0x80, v3, vm0, $0xb8;
	[tilespmem:$0x1A080] =	vst v63  }
0x2d7: {  	s1 =	simm.s32 $0x13480  }
0x2d8: {  	[tilespmem:s1], [sflag:$0x1] =	stream.indirect_vreg.gather [hbm4b:s11+s2], $0x80, v3, vm1, $0xb8;
	[tilespmem:$0x1A080] =	vst v63  }
0x2d9: {  	v3 =	vld [tilespmem:$0x30];
	_ =	sdelay $0x4  }
0x2da: {  	v59 =	vshrl.u32 v3, $0x3  }
0x2db: {  	v4 =	vmul.u32 $0x68, v59  }
0x2dc: {  	v3 =	vand.u32 $0x7, v3  }
0x2dd: {  	v3 =	vor.u32 v3, v4  }
0x2de: {  	v4 =	vperm.xlane v3, v0;
	_ =	sdelay $0x1  }
0x2df: {  	v4 =	vadd.s32 v1, v4;
	_ =	sdelay $0x3  }
0x2e0: {  	s1 =	simm.s32 $0x13880  }
0x2e1: {  	[tilespmem:s1], [sflag:$0x1] =	stream.indirect_vreg.gather [hbm4b:s3+s2], $0x80, v4, vm0, $0xb8;
	[tilespmem:$0x1A080] =	vst v63  }
0x2e2: {  	s1 =	simm.s32 $0x14080  }
0x2e3: {  	[tilespmem:s1], [sflag:$0x1] =	stream.indirect_vreg.gather [hbm4b:s6+s2], $0x80, v4, vm0, $0xb8;
	[tilespmem:$0x1A080] =	vst v63  }
0x2e4: {  	s1 =	simm.s32 $0x14880  }
0x2e5: {  	[tilespmem:s1], [sflag:$0x1] =	stream.indirect_vreg.gather [hbm4b:s7+s2], $0x80, v4, vm0, $0xb8;
	[tilespmem:$0x1A080] =	vst v63  }
0x2e6: {  	s1 =	simm.s32 $0x15080  }
0x2e7: {  	[tilespmem:s1], [sflag:$0x1] =	stream.indirect_vreg.gather [hbm4b:s8+s2], $0x80, v4, vm0, $0xb8;
	[tilespmem:$0x1A080] =	vst v63  }
0x2e8: {  	v3 =	vperm.xlane v3, v2;
	s1 =	simm.s32 $0x15880  }
0x2e9: {  	[tilespmem:s1], [sflag:$0x1] =	stream.indirect_vreg.gather [hbm4b:s9+s2], $0x80, v4, vm0, $0xb8;
	[tilespmem:$0x1A080] =	vst v63  }
0x2ea: {  	v3 =	vadd.s32 v1, v3;
	s1 =	simm.s32 $0x16080  }
0x2eb: {  	[tilespmem:s1], [sflag:$0x1] =	stream.indirect_vreg.gather [hbm4b:s10+s2], $0x80, v4, vm0, $0xb8;
	[tilespmem:$0x1A080] =	vst v63  }
0x2ec: {  	s1 =	simm.s32 $0x16880  }
0x2ed: {  	[tilespmem:s1], [sflag:$0x1] =	stream.indirect_vreg.gather [hbm4b:s11+s2], $0x80, v4, vm1, $0xb8;
	[tilespmem:$0x1A080] =	vst v63  }
0x2ee: {  	s1 =	simm.s32 $0x16C80  }
0x2ef: {  	[tilespmem:s1], [sflag:$0x1] =	stream.indirect_vreg.gather [hbm4b:s3+s2], $0x80, v3, vm0, $0xb8;
	[tilespmem:$0x1A080] =	vst v63  }
0x2f0: {  	s1 =	simm.s32 $0x17480  }
0x2f1: {  	[tilespmem:s1], [sflag:$0x1] =	stream.indirect_vreg.gather [hbm4b:s6+s2], $0x80, v3, vm0, $0xb8;
	[tilespmem:$0x1A080] =	vst v63  }
0x2f2: {  	s1 =	simm.s32 $0x17C80  }
0x2f3: {  	[tilespmem:s1], [sflag:$0x1] =	stream.indirect_vreg.gather [hbm4b:s7+s2], $0x80, v3, vm0, $0xb8;
	[tilespmem:$0x1A080] =	vst v63  }
0x2f4: {  	s1 =	simm.s32 $0x18480  }
0x2f5: {  	[tilespmem:s1], [sflag:$0x1] =	stream.indirect_vreg.gather [hbm4b:s8+s2], $0x80, v3, vm0, $0xb8;
	[tilespmem:$0x1A080] =	vst v63  }
0x2f6: {  	s1 =	simm.s32 $0x18C80  }
0x2f7: {  	[tilespmem:s1], [sflag:$0x1] =	stream.indirect_vreg.gather [hbm4b:s9+s2], $0x80, v3, vm0, $0xb8;
	[tilespmem:$0x1A080] =	vst v63  }
0x2f8: {  	s1 =	simm.s32 $0x19480  }
0x2f9: {  	[tilespmem:s1], [sflag:$0x1] =	stream.indirect_vreg.gather [hbm4b:s10+s2], $0x80, v3, vm0, $0xb8;
	[tilespmem:$0x1A080] =	vst v63  }
0x2fa: {  	s1 =	simm.s32 $0x19C80  }
0x2fb: {  	[tilespmem:s1], [sflag:$0x1] =	stream.indirect_vreg.gather [hbm4b:s11+s2], $0x80, v3, vm1, $0xb8;
	[tilespmem:$0x1A080] =	vst v63  }
0x2fc: {  	_ =	swait.ge [sflag:s31], $0x1A000  }
0x2fd: {  	[sflag:s31] =	ssyncset.done $0x0  }
0x2fe: {  	s1 =	rddreg [dreg:$0xa];
	[sflag:s31] =	ssyncadd.s32 $0xFFFE6000  }
0x2ff: {  	[hbm4b:s1+s2] =	stream.linear.scatter [tilespmem:s25], [sflag:$0x2], $0x1A000, $0x38;
	[tilespmem:$0x1A080] =	vst v63  }
0x300: {  	_ =	swait.ge [sflag:s13], $0x1A000  }
0x301: {  	[sflag:s13] =	ssyncset.done $0x0  }
0x302: {  	s1 =	rddreg [dreg:$0xb];
	[sflag:s13] =	ssyncadd.s32 $0xFFFE6000  }
0x303: {  	[tilespmem:s2], [sflag:$0x2] =	stream.linear.gather [hbm4b:s1+s2], $0x40, $0x38;
	[tilespmem:$0x1A080] =	vst v63  }
0x304: {  	_ =	swait.ge [sflag:s13], $0x40  }
0x305: {  	[sflag:s13] =	ssyncset.done $0x0  }
0x306: {  	[sflag:s13] =	ssyncadd.s32 $0xFFFFFFC0  }
0x307: {  	v3 =	vld [tilespmem:$0x0];
	_ =	sdelay $0x4  }
0x308: {  	v60 =	vshrl.u32 v3, $0x3  }
0x309: {  	v4 =	vmul.u32 $0x68, v60  }
0x30a: {  	v3 =	vand.u32 $0x7, v3  }
0x30b: {  	v3 =	vor.u32 v3, v4  }
0x30c: {  	v4 =	vperm.xlane v3, v0;
	_ =	sdelay $0x1  }
0x30d: {  	v4 =	vadd.s32 v1, v4;
	_ =	sdelay $0x4  }
0x30e: {  	[tilespmem:s25], [sflag:$0x1] =	stream.indirect_vreg.gather [hbm4b:s3+s2], $0x80, v4, vm0, $0xb8;
	[tilespmem:$0x1A080] =	vst v63  }
0x30f: {  	s0 =	simm.s32 $0x880  }
0x310: {  	[tilespmem:s0], [sflag:$0x1] =	stream.indirect_vreg.gather [hbm4b:s6+s2], $0x80, v4, vm0, $0xb8;
	[tilespmem:$0x1A080] =	vst v63  }
0x311: {  	s5 =	simm.s32 $0x1080  }
0x312: {  	[tilespmem:s5], [sflag:$0x1] =	stream.indirect_vreg.gather [hbm4b:s7+s2], $0x80, v4, vm0, $0xb8;
	[tilespmem:$0x1A080] =	vst v63  }
0x313: {  	s1 =	simm.s32 $0x1880  }
0x314: {  	[tilespmem:s1], [sflag:$0x1] =	stream.indirect_vreg.gather [hbm4b:s8+s2], $0x80, v4, vm0, $0xb8;
	[tilespmem:$0x1A080] =	vst v63  }
0x315: {  	v3 =	vperm.xlane v3, v2;
	s5 =	simm.s32 $0x2080  }
0x316: {  	[tilespmem:s5], [sflag:$0x1] =	stream.indirect_vreg.gather [hbm4b:s9+s2], $0x80, v4, vm0, $0xb8;
	[tilespmem:$0x1A080] =	vst v63  }
0x317: {  	s14 =	simm.s32 $0x2880;
	v3 =	vadd.s32 v1, v3  }
0x318: {  	[tilespmem:s14], [sflag:$0x1] =	stream.indirect_vreg.gather [hbm4b:s10+s2], $0x80, v4, vm0, $0xb8;
	[tilespmem:$0x1A080] =	vst v63  }
0x319: {  	s15 =	simm.s32 $0x3080  }
0x31a: {  	[tilespmem:s15], [sflag:$0x1] =	stream.indirect_vreg.gather [hbm4b:s11+s2], $0x80, v4, vm1, $0xb8;
	[tilespmem:$0x1A080] =	vst v63  }
0x31b: {  	s16 =	simm.s32 $0x3480  }
0x31c: {  	[tilespmem:s16], [sflag:$0x1] =	stream.indirect_vreg.gather [hbm4b:s3+s2], $0x80, v3, vm0, $0xb8;
	[tilespmem:$0x1A080] =	vst v63  }
0x31d: {  	s17 =	simm.s32 $0x3C80  }
0x31e: {  	[tilespmem:s17], [sflag:$0x1] =	stream.indirect_vreg.gather [hbm4b:s6+s2], $0x80, v3, vm0, $0xb8;
	[tilespmem:$0x1A080] =	vst v63  }
0x31f: {  	s18 =	simm.s32 $0x4480  }
0x320: {  	[tilespmem:s18], [sflag:$0x1] =	stream.indirect_vreg.gather [hbm4b:s7+s2], $0x80, v3, vm0, $0xb8;
	[tilespmem:$0x1A080] =	vst v63  }
0x321: {  	s19 =	simm.s32 $0x4C80  }
0x322: {  	[tilespmem:s19], [sflag:$0x1] =	stream.indirect_vreg.gather [hbm4b:s8+s2], $0x80, v3, vm0, $0xb8;
	[tilespmem:$0x1A080] =	vst v63  }
0x323: {  	s20 =	simm.s32 $0x5480  }
0x324: {  	[tilespmem:s20], [sflag:$0x1] =	stream.indirect_vreg.gather [hbm4b:s9+s2], $0x80, v3, vm0, $0xb8;
	[tilespmem:$0x1A080] =	vst v63  }
0x325: {  	s21 =	simm.s32 $0x5C80  }
0x326: {  	[tilespmem:s21], [sflag:$0x1] =	stream.indirect_vreg.gather [hbm4b:s10+s2], $0x80, v3, vm0, $0xb8;
	[tilespmem:$0x1A080] =	vst v63  }
0x327: {  	s21 =	simm.s32 $0x6480  }
0x328: {  	[tilespmem:s21], [sflag:$0x1] =	stream.indirect_vreg.gather [hbm4b:s11+s2], $0x80, v3, vm1, $0xb8;
	[tilespmem:$0x1A080] =	vst v63  }
0x329: {  	v3 =	vld [tilespmem:$0x10];
	_ =	sdelay $0x4  }
0x32a: {  	v61 =	vshrl.u32 v3, $0x3  }
0x32b: {  	v4 =	vmul.u32 $0x68, v61  }
0x32c: {  	v3 =	vand.u32 $0x7, v3  }
0x32d: {  	v3 =	vor.u32 v3, v4  }
0x32e: {  	v4 =	vperm.xlane v3, v0;
	_ =	sdelay $0x1  }
0x32f: {  	v4 =	vadd.s32 v1, v4;
	_ =	sdelay $0x3  }
0x330: {  	s22 =	simm.s32 $0x6880  }
0x331: {  	[tilespmem:s22], [sflag:$0x1] =	stream.indirect_vreg.gather [hbm4b:s3+s2], $0x80, v4, vm0, $0xb8;
	[tilespmem:$0x1A080] =	vst v63  }
0x332: {  	s23 =	simm.s32 $0x7080  }
0x333: {  	[tilespmem:s23], [sflag:$0x1] =	stream.indirect_vreg.gather [hbm4b:s6+s2], $0x80, v4, vm0, $0xb8;
	[tilespmem:$0x1A080] =	vst v63  }
0x334: {  	s24 =	simm.s32 $0x7880  }
0x335: {  	[tilespmem:s24], [sflag:$0x1] =	stream.indirect_vreg.gather [hbm4b:s7+s2], $0x80, v4, vm0, $0xb8;
	[tilespmem:$0x1A080] =	vst v63  }
0x336: {  	s26 =	simm.s32 $0x8080  }
0x337: {  	[tilespmem:s26], [sflag:$0x1] =	stream.indirect_vreg.gather [hbm4b:s8+s2], $0x80, v4, vm0, $0xb8;
	[tilespmem:$0x1A080] =	vst v63  }
0x338: {  	s1 =	simm.s32 $0x8880;
	v3 =	vperm.xlane v3, v2  }
0x339: {  	[tilespmem:s1], [sflag:$0x1] =	stream.indirect_vreg.gather [hbm4b:s9+s2], $0x80, v4, vm0, $0xb8;
	[tilespmem:$0x1A080] =	vst v63  }
0x33a: {  	s4 =	simm.s32 $0x9080;
	v3 =	vadd.s32 v1, v3  }
0x33b: {  	[tilespmem:s4], [sflag:$0x1] =	stream.indirect_vreg.gather [hbm4b:s10+s2], $0x80, v4, vm0, $0xb8;
	[tilespmem:$0x1A080] =	vst v63  }
0x33c: {  	s28 =	simm.s32 $0x9880  }
0x33d: {  	[tilespmem:s28], [sflag:$0x1] =	stream.indirect_vreg.gather [hbm4b:s11+s2], $0x80, v4, vm1, $0xb8;
	[tilespmem:$0x1A080] =	vst v63  }
0x33e: {  	s29 =	simm.s32 $0x9C80  }
0x33f: {  	[tilespmem:s29], [sflag:$0x1] =	stream.indirect_vreg.gather [hbm4b:s3+s2], $0x80, v3, vm0, $0xb8;
	[tilespmem:$0x1A080] =	vst v63  }
0x340: {  	s30 =	simm.s32 $0xA480  }
0x341: {  	[tilespmem:s30], [sflag:$0x1] =	stream.indirect_vreg.gather [hbm4b:s6+s2], $0x80, v3, vm0, $0xb8;
	[tilespmem:$0x1A080] =	vst v63  }
0x342: {  	s5 =	simm.s32 $0xAC80  }
0x343: {  	[tilespmem:s5], [sflag:$0x1] =	stream.indirect_vreg.gather [hbm4b:s7+s2], $0x80, v3, vm0, $0xb8;
	[tilespmem:$0x1A080] =	vst v63  }
0x344: {  	s14 =	simm.s32 $0xB480  }
0x345: {  	[tilespmem:s14], [sflag:$0x1] =	stream.indirect_vreg.gather [hbm4b:s8+s2], $0x80, v3, vm0, $0xb8;
	[tilespmem:$0x1A080] =	vst v63  }
0x346: {  	s15 =	simm.s32 $0xBC80  }
0x347: {  	[tilespmem:s15], [sflag:$0x1] =	stream.indirect_vreg.gather [hbm4b:s9+s2], $0x80, v3, vm0, $0xb8;
	[tilespmem:$0x1A080] =	vst v63  }
0x348: {  	s16 =	simm.s32 $0xC480  }
0x349: {  	[tilespmem:s16], [sflag:$0x1] =	stream.indirect_vreg.gather [hbm4b:s10+s2], $0x80, v3, vm0, $0xb8;
	[tilespmem:$0x1A080] =	vst v63  }
0x34a: {  	s17 =	simm.s32 $0xCC80  }
0x34b: {  	[tilespmem:s17], [sflag:$0x1] =	stream.indirect_vreg.gather [hbm4b:s11+s2], $0x80, v3, vm1, $0xb8;
	[tilespmem:$0x1A080] =	vst v63  }
0x34c: {  	v3 =	vld [tilespmem:$0x20];
	_ =	sdelay $0x4  }
0x34d: {  	v62 =	vshrl.u32 v3, $0x3  }
0x34e: {  	v4 =	vmul.u32 $0x68, v62  }
0x34f: {  	v3 =	vand.u32 $0x7, v3  }
0x350: {  	v3 =	vor.u32 v3, v4  }
0x351: {  	v4 =	vperm.xlane v3, v0;
	_ =	sdelay $0x1  }
0x352: {  	v4 =	vadd.s32 v1, v4;
	_ =	sdelay $0x3  }
0x353: {  	s18 =	simm.s32 $0xD080  }
0x354: {  	[tilespmem:s18], [sflag:$0x1] =	stream.indirect_vreg.gather [hbm4b:s3+s2], $0x80, v4, vm0, $0xb8;
	[tilespmem:$0x1A080] =	vst v63  }
0x355: {  	s19 =	simm.s32 $0xD880  }
0x356: {  	[tilespmem:s19], [sflag:$0x1] =	stream.indirect_vreg.gather [hbm4b:s6+s2], $0x80, v4, vm0, $0xb8;
	[tilespmem:$0x1A080] =	vst v63  }
0x357: {  	s20 =	simm.s32 $0xE080  }
0x358: {  	[tilespmem:s20], [sflag:$0x1] =	stream.indirect_vreg.gather [hbm4b:s7+s2], $0x80, v4, vm0, $0xb8;
	[tilespmem:$0x1A080] =	vst v63  }
0x359: {  	s21 =	simm.s32 $0xE880  }
0x35a: {  	[tilespmem:s21], [sflag:$0x1] =	stream.indirect_vreg.gather [hbm4b:s8+s2], $0x80, v4, vm0, $0xb8;
	[tilespmem:$0x1A080] =	vst v63  }
0x35b: {  	s22 =	simm.s32 $0xF080;
	v3 =	vperm.xlane v3, v2  }
0x35c: {  	[tilespmem:s22], [sflag:$0x1] =	stream.indirect_vreg.gather [hbm4b:s9+s2], $0x80, v4, vm0, $0xb8;
	[tilespmem:$0x1A080] =	vst v63  }
0x35d: {  	s23 =	simm.s32 $0xF880;
	v3 =	vadd.s32 v1, v3  }
0x35e: {  	[tilespmem:s23], [sflag:$0x1] =	stream.indirect_vreg.gather [hbm4b:s10+s2], $0x80, v4, vm0, $0xb8;
	[tilespmem:$0x1A080] =	vst v63  }
0x35f: {  	s24 =	simm.s32 $0x10080  }
0x360: {  	[tilespmem:s24], [sflag:$0x1] =	stream.indirect_vreg.gather [hbm4b:s11+s2], $0x80, v4, vm1, $0xb8;
	[tilespmem:$0x1A080] =	vst v63  }
0x361: {  	s26 =	simm.s32 $0x10480  }
0x362: {  	[tilespmem:s26], [sflag:$0x1] =	stream.indirect_vreg.gather [hbm4b:s3+s2], $0x80, v3, vm0, $0xb8;
	[tilespmem:$0x1A080] =	vst v63  }
0x363: {  	s28 =	simm.s32 $0x10C80  }
0x364: {  	[tilespmem:s28], [sflag:$0x1] =	stream.indirect_vreg.gather [hbm4b:s6+s2], $0x80, v3, vm0, $0xb8;
	[tilespmem:$0x1A080] =	vst v63  }
0x365: {  	s29 =	simm.s32 $0x11480  }
0x366: {  	[tilespmem:s29], [sflag:$0x1] =	stream.indirect_vreg.gather [hbm4b:s7+s2], $0x80, v3, vm0, $0xb8;
	[tilespmem:$0x1A080] =	vst v63  }
0x367: {  	s30 =	simm.s32 $0x11C80  }
0x368: {  	[tilespmem:s30], [sflag:$0x1] =	stream.indirect_vreg.gather [hbm4b:s8+s2], $0x80, v3, vm0, $0xb8;
	[tilespmem:$0x1A080] =	vst v63  }
0x369: {  	s1 =	simm.s32 $0x12480  }
0x36a: {  	[tilespmem:s1], [sflag:$0x1] =	stream.indirect_vreg.gather [hbm4b:s9+s2], $0x80, v3, vm0, $0xb8;
	[tilespmem:$0x1A080] =	vst v63  }
0x36b: {  	s4 =	simm.s32 $0x12C80  }
0x36c: {  	[tilespmem:s4], [sflag:$0x1] =	stream.indirect_vreg.gather [hbm4b:s10+s2], $0x80, v3, vm0, $0xb8;
	[tilespmem:$0x1A080] =	vst v63  }
0x36d: {  	s5 =	simm.s32 $0x13480  }
0x36e: {  	[tilespmem:s5], [sflag:$0x1] =	stream.indirect_vreg.gather [hbm4b:s11+s2], $0x80, v3, vm1, $0xb8;
	[tilespmem:$0x1A080] =	vst v63  }
0x36f: {  	v3 =	vld [tilespmem:$0x30];
	_ =	sdelay $0x4  }
0x370: {  	v63 =	vshrl.u32 v3, $0x3  }
0x371: {  	v4 =	vmul.u32 $0x68, v63  }
0x372: {  	v3 =	vand.u32 $0x7, v3  }
0x373: {  	v3 =	vor.u32 v3, v4  }
0x374: {  	v4 =	vperm.xlane v3, v0;
	_ =	sdelay $0x1  }
0x375: {  	v4 =	vadd.s32 v1, v4;
	_ =	sdelay $0x3  }
0x376: {  	s14 =	simm.s32 $0x13880  }
0x377: {  	[tilespmem:s14], [sflag:$0x1] =	stream.indirect_vreg.gather [hbm4b:s3+s2], $0x80, v4, vm0, $0xb8;
	[tilespmem:$0x1A080] =	vst v63  }
0x378: {  	s15 =	simm.s32 $0x14080  }
0x379: {  	[tilespmem:s15], [sflag:$0x1] =	stream.indirect_vreg.gather [hbm4b:s6+s2], $0x80, v4, vm0, $0xb8;
	[tilespmem:$0x1A080] =	vst v63  }
0x37a: {  	s16 =	simm.s32 $0x14880  }
0x37b: {  	[tilespmem:s16], [sflag:$0x1] =	stream.indirect_vreg.gather [hbm4b:s7+s2], $0x80, v4, vm0, $0xb8;
	[tilespmem:$0x1A080] =	vst v63  }
0x37c: {  	s17 =	simm.s32 $0x15080  }
0x37d: {  	[tilespmem:s17], [sflag:$0x1] =	stream.indirect_vreg.gather [hbm4b:s8+s2], $0x80, v4, vm0, $0xb8;
	[tilespmem:$0x1A080] =	vst v63  }
0x37e: {  	s18 =	simm.s32 $0x15880;
	v3 =	vperm.xlane v3, v2  }
0x37f: {  	[tilespmem:s18], [sflag:$0x1] =	stream.indirect_vreg.gather [hbm4b:s9+s2], $0x80, v4, vm0, $0xb8;
	[tilespmem:$0x1A080] =	vst v63  }
0x380: {  	s19 =	simm.s32 $0x16080;
	v3 =	vadd.s32 v1, v3  }
0x381: {  	[tilespmem:s19], [sflag:$0x1] =	stream.indirect_vreg.gather [hbm4b:s10+s2], $0x80, v4, vm0, $0xb8;
	[tilespmem:$0x1A080] =	vst v63  }
0x382: {  	s20 =	simm.s32 $0x16880  }
0x383: {  	[tilespmem:s20], [sflag:$0x1] =	stream.indirect_vreg.gather [hbm4b:s11+s2], $0x80, v4, vm1, $0xb8;
	[tilespmem:$0x1A080] =	vst v63  }
0x384: {  	s21 =	simm.s32 $0x16C80  }
0x385: {  	[tilespmem:s21], [sflag:$0x1] =	stream.indirect_vreg.gather [hbm4b:s3+s2], $0x80, v3, vm0, $0xb8;
	[tilespmem:$0x1A080] =	vst v63  }
0x386: {  	s22 =	simm.s32 $0x17480  }
0x387: {  	[tilespmem:s22], [sflag:$0x1] =	stream.indirect_vreg.gather [hbm4b:s6+s2], $0x80, v3, vm0, $0xb8;
	[tilespmem:$0x1A080] =	vst v63  }
0x388: {  	s23 =	simm.s32 $0x17C80  }
0x389: {  	[tilespmem:s23], [sflag:$0x1] =	stream.indirect_vreg.gather [hbm4b:s7+s2], $0x80, v3, vm0, $0xb8;
	[tilespmem:$0x1A080] =	vst v63  }
0x38a: {  	s24 =	simm.s32 $0x18480  }
0x38b: {  	[tilespmem:s24], [sflag:$0x1] =	stream.indirect_vreg.gather [hbm4b:s8+s2], $0x80, v3, vm0, $0xb8;
	[tilespmem:$0x1A080] =	vst v63  }
0x38c: {  	s26 =	simm.s32 $0x18C80  }
0x38d: {  	[tilespmem:s26], [sflag:$0x1] =	stream.indirect_vreg.gather [hbm4b:s9+s2], $0x80, v3, vm0, $0xb8;
	[tilespmem:$0x1A080] =	vst v63  }
0x38e: {  	s28 =	simm.s32 $0x19480  }
0x38f: {  	[tilespmem:s28], [sflag:$0x1] =	stream.indirect_vreg.gather [hbm4b:s10+s2], $0x80, v3, vm0, $0xb8;
	[tilespmem:$0x1A080] =	vst v63  }
0x390: {  	s29 =	simm.s32 $0x19C80  }
0x391: {  	[tilespmem:s29], [sflag:$0x1] =	stream.indirect_vreg.gather [hbm4b:s11+s2], $0x80, v3, vm1, $0xb8;
	[tilespmem:$0x1A080] =	vst v63  }
0x392: {  	_ =	swait.ge [sflag:s31], $0x1A000  }
0x393: {  	p0 =	sne.s32 s12, $0x1;
	[sflag:s31] =	ssyncset.done $0x0  }
.Ltmp0:
0x394: {  	s30 =	rddreg [dreg:$0xc];
	[sflag:s31] =	ssyncadd.s32 $0xFFFE6000;
	(pc) =	sbr.rel @p0 .LBB2_1-.Ltmp0, $4  }
0x395: {  	[hbm4b:s30+s2] =	stream.linear.scatter [tilespmem:s25], [sflag:$0x2], $0x1A000, $0x38;
	[tilespmem:$0x1A080] =	vst v63  }
0x396: {  	_ =	swait.ge [sflag:s13], $0x1A000  }
0x397: {  	[sflag:s13] =	ssyncset.done $0x0  }
0x398: {  	s12 =	sadd.s32 $0xFFFFFFFF, s12;
	[sflag:s13] =	ssyncadd.s32 $0xFFFE6000  }
0x399: {  	_ =	sfence.sel $0x180000  }
0x39a: {  	[bflag:$0x0] =	sbarrier.arrive $0xFFFF  }
0x39b: {  	_ =	strace $0x90000047  }
0x39c: {  	s0 =	stileid.u32;
	[bflag:$0x2] =	sbarrier.arrive $0xFFFF  }
0x39d: {  	p0 =	sne.s32 s0, $0x0;
	s0 =	rddreg [dreg:$0x2]  }
0x39e: {  	s0 =	sadd.s32 @!p0 $0x100000, s0  }
0x39f: {  	[sflag:s0] =	ssyncadd.tile.s32 @!p0 $0x1;
	_ =	shalt  }
.Lfunc_end2:
_tile_overlayer_lowered:
.L_overlay_start_2:
0x3a0: {  	(tag) =	ssettag $0x2  }
0x3a1: {  	s0 =	rddreg [dreg:$0x0];
	s2 =	stileid.u32  }
0x3a2: {  	s1 =	rddreg [dreg:$0x1];
	p0 =	sne.s32 s2, $0x0  }
0x3a3: {  	s3 =	rddreg [dreg:$0x2];
	[bflag:$0x3] =	sbarrier.arrive $0xFFFF;
	s2 =	simm.s32 @!p0 $0x1C02  }
0x3a4: {  	[timem:s3], [sflag:s2] =	dma.local @!p0 [hbm:s0], s1  }
0x3a5: {  	s0 =	simm.s32 @!p0 $0x2  }
0x3a6: {  	_ =	swait.ge @!p0 [sflag:s0], s1  }
0x3a7: {  	s1 =	ssub.s32 @!p0 $0x0, s1;
	[sflag:s0] =	ssyncset.done @!p0 $0x0  }
0x3a8: {  	[sflag:s0] =	ssyncadd.s32 @!p0 s1  }
0x3a9: {  	[bflag:$0x3] =	sbarrier.arrive $0xFFFF  }
0x3aa: {  	_ =	shalt  }

// kernel: sparse-core-data-format-call.cloned.1.call-start
scs
called_computation_lowered:
.L_overlay_start_0:
0x0: {  	s1 =	sld [smem:$0x3FD9]  }
0x1: {  	s2 =	sld [smem:$0x3FFE];
	_ =	sdelay $0x1  }
0x2: {  	s3 =	srdreg.scid  }
0x3: {  	s0 =	sand.u32 $0x1, s3  }
0x4: {  	s17 =	sshll.u32 s0, $0xA;
	s1 =	sadd.s32 s2, s1  }
0x5: {  	s1 =	sadd.s32 s1, s17  }
0x6: {  	[smem:$0x3FBF] =	sst s1  }
0x7: {  	_ = 	snop  }
0x8: {  	(tm) =	ssettm $0x1  }
0x9: {  	s18 =	sld [smem:$0x3FFB];
	_ =	sdelay $0x3  }
0xa: {  	_ =	strace s18  }
0xb: {  	s1 =	sld [smem:$0x3FFC];
	_ =	sdelay $0x3  }
0xc: {  	_ =	strace s1  }
0xd: {  	s1 =	sld [smem:$0x3FFD];
	_ =	sdelay $0x3  }
0xe: {  	_ =	strace s1  }
0xf: {  	_ =	strace $0x8FFFFFFF  }
0x10: {  	s19 =	sld [smem:$0x3FDB];
	_ =	sdelay $0x1  }
0x11: {  	s20 =	simm.s32 $_scs_section_size  }
0x12: {  	s4 =	simm.s32 $_size__tile_overlayer_lowered;
	s5 =	simm.s32 $_tile_overlayer_lowered  }
0x13: {  	s23 =	simm.s32 $0x1BFF;
	s22 =	sshll.u32 s5, $0x1;
	s1 =	sadd.s32 s20, s19  }
0x14: {  	s6 =	simm.s32 $0x0;
	s21 =	sshll.u32 s4, $0x1;
	s4 =	sadd.s32 s22, s1  }
0x15: {  	[timem:s6], [sflag:s23] =	dma.local [hbm:s4], s21  }
0x16: {  	_ =	swait.ge [sflag:s23], s21  }
0x17: {  	s2 =	ssub.s32 $0x0, s21;
	[sflag:s23] =	ssyncset.done $0x0  }
0x18: {  	[sflag:s23] =	ssyncadd.s32 s2;
	_ =	sdelay $0x1  }
0x19: {  	s24 =	simm.s32 $0x1B8B  }
0x1a: {  	_ =	swait.ge [sflag:s24], $0x1  }
0x1b: {  	[sflag:s24] =	ssyncset.done $0x0  }
0x1c: {  	s26 =	simm.s32 $0x1B8E;
	s25 =	sld [smem:$0x3FFE];
	[sflag:s24] =	ssyncadd.s32 $0xFFFFFFFF  }
0x1d: {  	s27 =	simm.s32 $execute0_lowered;
	[smem:$0x3FD2] =	sst s26  }
0x1e: {  	s4 =	sshll.u32 s27, $0x1;
	_ =	strace $0x80000049;
	[dreg:$0x1] =	wrdreg $0xFFFFFFFF  }
0x1f: {  	s28 =	simm.s32 $_size_execute0_lowered;
	s1 =	sadd.s32 s1, s4;
	[dreg:$0x0] =	wrdreg $0x0  }
0x20: {  	s4 =	sshll.u32 s28, $0x1;
	[dreg:$0x2] =	wrdreg s1  }
0x21: {  	[dreg:$0x3] =	wrdreg s4  }
0x22: {  	[dreg:$0x4] =	wrdreg $0xC0  }
0x23: {  	_ =	task [dreg:s6], $0x5FFFF  }
0x24: {  	[dreg:$0x1] =	wrdreg $0xFFFFFFFF  }
0x25: {  	[dreg:$0x0] =	wrdreg $0x60  }
0x26: {  	[dreg:$0x2] =	wrdreg s25  }
0x27: {  	[dreg:$0x3] =	wrdreg $0x9  }
0x28: {  	_ =	task.clear_ibuf [dreg:s6], $0x4FFFF;
	_ =	strace $0x90000049  }
0x29: {  	s29 =	simm.s32 $0x9;
	_ =	strace $0x8000004B  }
0x2a: {  	_ =	swait.ge [sflag:s29], $0x1  }
0x2b: {  	[sflag:s29] =	ssyncadd.s32 $0xFFFFFFFF  }
0x2c: {  	_ =	strace $0x9000004B  }
0x2d: {  	_ =	sfence  }
0x2e: {  	s30 =	sld [smem:$0x0];
	_ =	sdelay $0x2  }
0x2f: {  	s31 =	sshll.u32 s3, $0xD;
	s3 =	sshrl.u32 s3, $0x2  }
0x30: {  	s2 =	sand.u32 $0x4000, s31;
	s1 =	sadd.s32 s3, s30  }
0x31: {  	s0 =	sor.u32 s2, s0;
	s1 =	sshll.u32 s1, $0x11  }
0x32: {  	s0 =	sor.u32 s1, s0  }
0x33: {  	s0 =	sadd.s32 $0x8F2B, s0  }
0x34: {  	[sflag:s0] =	ssyncadd.remote.s32 $0x1  }
0x35: {  	_ =	sfence.sel $0xFFFF  }
0x36: {  	[dreg:$0x0] =	wrdreg $0xFFFFFFFF;
	(pc) =	sbr.abs _section_cstart, $3  }
0x37: {  	[dreg:$0x1] =	wrdreg $0xFFFFFFFF  }
0x38: {  	_ =	task.clear_ibuf [dreg:s6], $0x2FFFF;
	_ =	strace $0x9FFFFFFF  }
0x39: {  	(tm) =	ssettm $0x7FFFFFFF  }
tec
execute0_lowered:
.L_overlay_start_1:
0x0: {  	(tag) =	ssettag $0x1  }
0x1: {  	s0 =	rddreg [dreg:$0x0];
	s1 =	srdreg.scid  }
0x2: {  	s2 =	stileid.u32;
	_ =	strace $0x8000004A;
	s16 =	simm.s32 $0x1  }
0x3: {  	s18 =	simm.s32 $0x2;
	s29 =	simm.s32 $0x0;
	s30 =	simm.s32 $0x0  }
0x4: {  	s31 =	simm.s32 $0x0;
	s28 =	simm.s32 $0x0;
	s1 =	sshll.u32 s1, $0x4  }
0x5: {  	s27 =	sand.u32 $0x1, s2;
	s3 =	sshrl.u32 s2, $0x1;
	s15 =	sadd.s32 $0x4D2800, s0  }
0x6: {  	s4 =	sshrl.u32 s2, $0x2;
	s17 =	sadd.s32 $0xC52800, s0;
	[dreg:$0x2] =	wrdreg s15  }
0x7: {  	[sflag:s16] =	ssyncpa.u1 $0x0;
	s19 =	sadd.s32 $0xC6B800, s0;
	[dreg:$0x3] =	wrdreg s17  }
0x8: {  	s20 =	sadd.s32 $0xC5F000, s0;
	s21 =	sadd.s32 $0xC78000, s0;
	[dreg:$0x4] =	wrdreg s19  }
0x9: {  	s22 =	sadd.s32 $0xC84800, s0;
	s23 =	sadd.s32 $0xC91000, s0;
	[dreg:$0x5] =	wrdreg s20  }
0xa: {  	s24 =	sadd.s32 $0xC9D800, s0;
	s0 =	sadd.s32 $0xCAA000, s0;
	[dreg:$0x6] =	wrdreg s21  }
0xb: {  	s1 =	sor.u32 s2, s1;
	s26 =	sand.u32 $0x1, s3;
	[dreg:$0x7] =	wrdreg s22  }
0xc: {  	s5 =	ssub.s32 $0x2, s27;
	s25 =	sand.u32 $0x1, s4;
	[dreg:$0x8] =	wrdreg s23  }
0xd: {  	[dreg:$0x9] =	wrdreg s24;
	s6 =	sshrl.u32 s5, $0x1;
	s7 =	sand.u32 $0x1, s5  }
0xe: {  	s5 =	sand.u32 $0x18, s1;
	s12 =	ssub.s32 $0x2, s26;
	s8 =	ssub.s32 $0x2, s25  }
0xf: {  	s11 =	sadd.s32 s7, s6;
	s13 =	sshrl.u32 s12, $0x1;
	s9 =	ssub.s32 $0x20, s5  }
0x10: {  	s6 =	sand.u32 $0x1, s12;
	s10 =	sand.u32 $0x18, s9;
	s1 =	smul.u32 s11, s8  }
0x11: {  	s7 =	simm.s32 $0x1;
	s6 =	sadd.s32 s6, s13;
	p0 =	sne.s32 s10, $0x0  }
0x12: {  	s14 =	sshrl.u32 s9, $0x5;
	s7 =	simm.s32 @!p0 $0x0;
	s1 =	smul.u32 s6, s1  }
0x13: {  	[sflag:s18] =	ssyncpa.u1 $0x0;
	[dreg:$0xa] =	wrdreg s0;
	s7 =	sadd.s32 s7, s14  }
0x14: {  	s18 =	simm.s32 $0x40;
	s19 =	simm.s32 $0xA00;
	s1 =	smul.u32 s7, s1  }
.Ltmp0:
0x15: {  	s20 =	simm.s32 $0x0;
	s21 =	simm.s32 $0x0;
	(pc) =	sbr.rel .LBB1_1-.Ltmp0, $4  }
0x16: {  	s22 =	simm.s32 $0x0;
	s23 =	simm.s32 $0x0;
	s3 =	smov.u32 s27  }
0x17: {  	s4 =	smov.u32 s26;
	s24 =	smov.u32 s5;
	s9 =	smul.u32 $0x19, s1  }
0x18: {  	s8 =	simm.s32 $0x0;
	s11 =	simm.s32 $0x0;
	s10 =	simm.s32 $0x0  }
0x19: {  	s6 =	smov.u32 s25;
	s1 =	simm.s32 $0x0;
	s17 =	sadd.s32 $0x1, s9  }
.LBB1_7:
0x1a: {  	s0 =	sadd.s32 $0x1, s21  }
0x1b: {  	s1 =	simm.s32 $0x1;
	p0 =	sgt.s32 s0, $0x4  }
0x1c: {  	s1 =	simm.s32 @!p0 $0x0  }
0x1d: {  	s2 =	sadd.s32 s1, s22  }
0x1e: {  	s7 =	smov.u32 s23;
	s1 =	sadd.s32 $0x20, s23;
	p1 =	sgt.s32 s2, $0x4  }
0x1f: {  	s12 =	smov.u32 s24;
	s13 =	smov.u32 s25;
	s7 =	smov.u32 @p1 s1  }
0x20: {  	s14 =	smov.u32 s26;
	s1 =	sadd.s32 $0x20, s24;
	p2 =	sgt.s32 s7, $0x1F  }
0x21: {  	s15 =	smov.u32 s27;
	s29 =	smov.u32 s21;
	s12 =	smov.u32 @p2 s1  }
0x22: {  	s30 =	smov.u32 s22;
	s1 =	sadd.s32 $0x2, s25;
	p3 =	sgt.s32 s12, $0x1F  }
0x23: {  	s31 =	smov.u32 s23;
	s8 =	smov.u32 s25;
	s13 =	smov.u32 @p3 s1  }
0x24: {  	s10 =	smov.u32 s26;
	s1 =	sadd.s32 $0x2, s26;
	p4 =	sgt.s32 s13, $0x2  }
0x25: {  	s11 =	smov.u32 s27;
	s20 =	sadd.s32 $0x4000, s20;
	s14 =	smov.u32 @p4 s1  }
0x26: {  	s2 =	simm.s32 @p1 $0x0;
	s1 =	sadd.s32 $0x2, s27;
	p1 =	sgt.s32 s14, $0x1  }
0x27: {  	s0 =	simm.s32 @p0 $0x0;
	p0 =	slt.u32 s28, $0x2;
	s15 =	smov.u32 @p1 s1  }
0x28: {  	s16 =	simm.s32 @!p0 $0x2;
	s14 =	smov.u32 @p1 s4;
	p1 =	sgt.s32 s15, $0x1  }
0x29: {  	_ =	swait.ge @!p0 [sflag:s16], $0x4000;
	s15 =	smov.u32 @p1 s3;
	p1 =	sne.s32 s28, s17  }
.Ltmp1:
0x2a: {  	s21 =	smov.u32 s0;
	[sflag:s16] =	ssyncset.done @!p0 $0x0;
	(pc) =	sbr.rel @!p1 .LBB1_8-.Ltmp1, $4  }
0x2b: {  	[sflag:s16] =	ssyncadd.s32 @!p0 $0xFFFFC000;
	s22 =	smov.u32 s2;
	s7 =	simm.s32 @p2 $0x0  }
0x2c: {  	s23 =	smov.u32 s7;
	s12 =	smov.u32 @p3 s5;
	s13 =	smov.u32 @p4 s6  }
0x2d: {  	s25 =	smov.u32 s13;
	s1 =	smov.u32 s24;
	s24 =	smov.u32 s12  }
0x2e: {  	s26 =	smov.u32 s14;
	s28 =	sadd.s32 $0x1, s28;
	s27 =	smov.u32 s15  }
.LBB1_1:
0x2f: {  	p0 =	sge.u32 s28, s9  }
0x30: {  	s0 =	smul.u32 @!p0 $0x3C0000, s27  }
0x31: {  	s2 =	rddreg [dreg:$0x2];
	s7 =	smul.u32 @!p0 $0x1E0000, s26  }
0x32: {  	s12 =	smul.u32 @!p0 $0xA0000, s25;
	s0 =	sadd.s32 @!p0 s2, s0  }
0x33: {  	s13 =	smul.u32 @!p0 $0x5000, s24;
	s0 =	sadd.s32 @!p0 s7, s0  }
0x34: {  	s14 =	smul.u32 @!p0 $0x280, s23;
	s7 =	sxor.u32 @!p0 $0xFFFFFFFF, s28;
	s0 =	sadd.s32 @!p0 s12, s0  }
0x35: {  	s16 =	sadd.s32 $0xFFFFFFFF, s28;
	s7 =	sshll.u32 @!p0 s7, $0xE;
	s0 =	sadd.s32 @!p0 s13, s0  }
0x36: {  	s12 =	sshll.u32 @!p0 s22, $0x7;
	s13 =	sshll.u32 @!p0 s21, $0x4;
	s0 =	sadd.s32 @!p0 s14, s0  }
0x37: {  	s7 =	sand.u32 @!p0 $0x4000, s7;
	s13 =	sand.u32 @!p0 $0x70, s13;
	s0 =	sadd.s32 @!p0 s12, s0  }
0x38: {  	s12 =	simm.s32 @!p0 $0x40;
	s0 =	sadd.s32 @!p0 s13, s0;
	s13 =	simm.s32 @!p0 $0x1400  }
0x39: {  	[tilespmem:s7], [sflag:$0x1] =	stream.strided.gather @!p0 [hbm4b:s0+s12], $0x4000, s13, s12, $0x38;
	[tilespmem:$0x10000] =	vst v63  }
0x3a: {  	p0 =	sge.u32 s16, s9  }
.Ltmp2:
0x3b: {  	_ = 	snop;
	(pc) =	sbr.rel @p0 .LBB1_7-.Ltmp2, $1  }
0x3c: {  	_ =	sdelay $0x3  }
0x3d: {  	s0 =	sand.u32 $0x4000, s20;
	s2 =	simm.s32 $0x1  }
0x3e: {  	s7 =	sshll.u32 s28, $0xE;
	s13 =	sor.u32 $0x20, s0;
	_ =	swait.ge [sflag:s2], $0x4000  }
0x3f: {  	s14 =	sor.u32 $0x8030, s0;
	s0 =	sand.u32 $0x4000, s7;
	[sflag:s2] =	ssyncset.done $0x0  }
0x40: {  	s15 =	simm.s32 $0x0;
	s12 =	sor.u32 $0x8000, s0;
	[sflag:s2] =	ssyncadd.s32 $0xFFFFC000  }
.LBB1_3:
0x41: {  	v1 =	vmov s13;
	_ =	sdelay $0x3  }
0x42: {  	s16 =	simm.s32 $0x0  }
0x43: {  	v3 =	vld.idx.msk [tilespmem:v1+s16+$0x10 ss:$0x1], $0xffff  }
0x44: {  	v0 =	vmov s14;
	v4 =	vld.idx.msk [tilespmem:v1+s16+$0xFFFFFFE0 ss:$0x1], $0xffff  }
0x45: {  	v2 =	vld.idx.msk [tilespmem:v1+s16+$0xFFFFFFF0 ss:$0x1], $0xffff  }
0x46: {  	s7 =	simm.s32 $0x100;
	v5 =	vld.idx.msk [tilespmem:v1+s16+$0x0 ss:$0x1], $0xffff  }
.LBB1_4:
0x47: {  	p0 =	sne.s32 s7, $0x1F00  }
.Ltmp3:
0x48: {  	s2 =	sshra.s32 s7, $0x2;
	s7 =	sadd.s32 $0x100, s7;
	(pc) =	sbr.rel @p0 .LBB1_4-.Ltmp3, $4  }
0x49: {  	[tilespmem:v0+s16+$0x0 ss:$0x1] =	vst.idx.msk $0xffff, v3;
	v3 =	vld.idx.msk [tilespmem:v1+s2+$0x10 ss:$0x1], $0xffff  }
0x4a: {  	[tilespmem:v0+s16+$0xFFFFFFD0 ss:$0x1] =	vst.idx.msk $0xffff, v4;
	v4 =	vld.idx.msk [tilespmem:v1+s2+$0xFFFFFFE0 ss:$0x1], $0xffff  }
0x4b: {  	[tilespmem:v0+s16+$0xFFFFFFE0 ss:$0x1] =	vst.idx.msk $0xffff, v2;
	v2 =	vld.idx.msk [tilespmem:v1+s2+$0xFFFFFFF0 ss:$0x1], $0xffff  }
0x4c: {  	[tilespmem:v0+s16+$0xFFFFFFF0 ss:$0x1] =	vst.idx.msk $0xffff, v5;
	v5 =	vld.idx.msk [tilespmem:v1+s2+$0x0 ss:$0x1], $0xffff;
	s16 =	smov.u32 s2  }
0x4d: {  	_ = 	snop  }
0x4e: {  	s15 =	sadd.s32 $0x1, s15  }
0x4f: {  	p0 =	sne.s32 s15, $0x8  }
.Ltmp4:
0x50: {  	_ = 	snop;
	(pc) =	sbr.rel @p0 .LBB1_3-.Ltmp4, $4  }
0x51: {  	[tilespmem:v0+s16+$0x0 ss:$0x1] =	vst.idx.msk $0xffff, v3  }
0x52: {  	[tilespmem:v0+s16+$0xFFFFFFD0 ss:$0x1] =	vst.idx.msk $0xffff, v4  }
0x53: {  	[tilespmem:v0+s16+$0xFFFFFFE0 ss:$0x1] =	vst.idx.msk $0xffff, v2  }
0x54: {  	s13 =	sadd.s32 $0x800, s13;
	s14 =	sadd.s32 $0x800, s14;
	[tilespmem:v0+s16+$0xFFFFFFF0 ss:$0x1] =	vst.idx.msk $0xffff, v5  }
0x55: {  	s2 =	smul.u32 $0x320000, s11  }
0x56: {  	s7 =	smul.u32 $0x190000, s10  }
0x57: {  	s1 =	smul.u32 $0xC800, s1  }
0x58: {  	s2 =	sadd.s32 s2, s7  }
0x59: {  	s14 =	sshll.u32 s8, $0x4;
	s16 =	rddreg [dreg:$0x3];
	s15 =	sadd.s32 s2, s1  }
0x5a: {  	s10 =	smul.u32 $0x140, s31;
	s7 =	sand.u32 $0x30, s14;
	s8 =	sadd.s32 s16, s15  }
0x5b: {  	s11 =	smul.u32 $0x2800, s30;
	s8 =	sadd.s32 s7, s8  }
0x5c: {  	s8 =	sadd.s32 s10, s8  }
0x5d: {  	s13 =	sshll.u32 s29, $0x6;
	s8 =	sadd.s32 s11, s8  }
0x5e: {  	s30 =	rddreg [dreg:$0x5];
	s8 =	sadd.s32 s13, s8  }
0x5f: {  	[hbm4b:s8+s18] =	stream.strided.scatter [tilespmem:s12], [sflag:$0x2], $0x800, s19, s18, $0x38;
	[tilespmem:$0x10000] =	vst v63  }
0x60: {  	s8 =	sadd.s32 s2, s30  }
0x61: {  	s8 =	sadd.s32 s1, s8  }
0x62: {  	s8 =	sadd.s32 s7, s8  }
0x63: {  	s8 =	sadd.s32 s10, s8  }
0x64: {  	s8 =	sadd.s32 s11, s8  }
0x65: {  	s31 =	sadd.s32 $0x8800, s0;
	s14 =	rddreg [dreg:$0x4];
	s8 =	sadd.s32 s13, s8  }
0x66: {  	[hbm4b:s8+s18] =	stream.strided.scatter [tilespmem:s31], [sflag:$0x2], $0x800, s19, s18, $0x38;
	[tilespmem:$0x10000] =	vst v63  }
0x67: {  	s8 =	sadd.s32 s2, s14  }
0x68: {  	s8 =	sadd.s32 s1, s8  }
0x69: {  	s8 =	sadd.s32 s7, s8  }
0x6a: {  	s8 =	sadd.s32 s10, s8  }
0x6b: {  	s8 =	sadd.s32 s11, s8  }
0x6c: {  	s15 =	sadd.s32 $0x9000, s0;
	s16 =	rddreg [dreg:$0x6];
	s8 =	sadd.s32 s13, s8  }
0x6d: {  	[hbm4b:s8+s18] =	stream.strided.scatter [tilespmem:s15], [sflag:$0x2], $0x800, s19, s18, $0x38;
	[tilespmem:$0x10000] =	vst v63  }
0x6e: {  	s8 =	sadd.s32 s2, s16  }
0x6f: {  	s8 =	sadd.s32 s1, s8  }
0x70: {  	s8 =	sadd.s32 s7, s8  }
0x71: {  	s8 =	sadd.s32 s10, s8  }
0x72: {  	s8 =	sadd.s32 s11, s8  }
0x73: {  	s29 =	sadd.s32 $0x9800, s0;
	s30 =	rddreg [dreg:$0x7];
	s8 =	sadd.s32 s13, s8  }
0x74: {  	[hbm4b:s8+s18] =	stream.strided.scatter [tilespmem:s29], [sflag:$0x2], $0x800, s19, s18, $0x38;
	[tilespmem:$0x10000] =	vst v63  }
0x75: {  	s8 =	sadd.s32 s2, s30  }
0x76: {  	s8 =	sadd.s32 s1, s8  }
0x77: {  	s8 =	sadd.s32 s7, s8  }
0x78: {  	s8 =	sadd.s32 s10, s8  }
0x79: {  	s8 =	sadd.s32 s11, s8  }
0x7a: {  	s31 =	sadd.s32 $0xA000, s0;
	s14 =	rddreg [dreg:$0x8];
	s8 =	sadd.s32 s13, s8  }
0x7b: {  	[hbm4b:s8+s18] =	stream.strided.scatter [tilespmem:s31], [sflag:$0x2], $0x800, s19, s18, $0x38;
	[tilespmem:$0x10000] =	vst v63  }
0x7c: {  	s8 =	sadd.s32 s2, s14  }
0x7d: {  	s8 =	sadd.s32 s1, s8  }
0x7e: {  	s8 =	sadd.s32 s7, s8  }
0x7f: {  	s8 =	sadd.s32 s10, s8  }
0x80: {  	s8 =	sadd.s32 s11, s8  }
0x81: {  	s15 =	sadd.s32 $0xA800, s0;
	s16 =	rddreg [dreg:$0x9];
	s8 =	sadd.s32 s13, s8  }
0x82: {  	[hbm4b:s8+s18] =	stream.strided.scatter [tilespmem:s15], [sflag:$0x2], $0x800, s19, s18, $0x38;
	[tilespmem:$0x10000] =	vst v63  }
0x83: {  	s30 =	rddreg [dreg:$0xa];
	s8 =	sadd.s32 s2, s16  }
0x84: {  	s2 =	sadd.s32 s2, s30;
	s8 =	sadd.s32 s1, s8  }
0x85: {  	s1 =	sadd.s32 s1, s2;
	s8 =	sadd.s32 s7, s8  }
0x86: {  	s1 =	sadd.s32 s7, s1;
	s8 =	sadd.s32 s10, s8  }
.Ltmp5:
0x87: {  	s1 =	sadd.s32 s10, s1;
	s8 =	sadd.s32 s11, s8;
	(pc) =	sbr.rel .LBB1_7-.Ltmp5, $4  }
0x88: {  	s29 =	sadd.s32 $0xB000, s0;
	s1 =	sadd.s32 s11, s1;
	s8 =	sadd.s32 s13, s8  }
0x89: {  	[hbm4b:s8+s18] =	stream.strided.scatter [tilespmem:s29], [sflag:$0x2], $0x800, s19, s18, $0x38;
	[tilespmem:$0x10000] =	vst v63  }
0x8a: {  	s31 =	sadd.s32 $0xB800, s0;
	s1 =	sadd.s32 s13, s1  }
0x8b: {  	[hbm4b:s1+s18] =	stream.strided.scatter [tilespmem:s31], [sflag:$0x2], $0x800, s19, s18, $0x38;
	[tilespmem:$0x10000] =	vst v63  }
.LBB1_8:
0x8c: {  	_ =	sfence.sel $0x180000  }
0x8d: {  	s0 =	simm.s32 $0x1;
	[bflag:$0x0] =	sbarrier.arrive $0xFFFF  }
0x8e: {  	s30 =	simm.s32 $0x2;
	[sflag:s0] =	ssyncpa.u1 $0x1  }
0x8f: {  	[sflag:s30] =	ssyncpa.u1 $0x1  }
0x90: {  	_ =	strace $0x9000004A  }
0x91: {  	s31 =	stileid.u32;
	[bflag:$0x2] =	sbarrier.arrive $0xFFFF  }
0x92: {  	p0 =	sne.s32 s31, $0x0;
	s0 =	rddreg [dreg:$0x1]  }
0x93: {  	s0 =	sadd.s32 @!p0 $0x100000, s0  }
0x94: {  	[sflag:s0] =	ssyncadd.tile.s32 @!p0 $0x1;
	_ =	shalt  }
.Lfunc_end1:
_tile_overlayer_lowered:
.L_overlay_start_2:
0x95: {  	(tag) =	ssettag $0x2  }
0x96: {  	s0 =	rddreg [dreg:$0x0];
	s2 =	stileid.u32  }
0x97: {  	s1 =	rddreg [dreg:$0x1];
	p0 =	sne.s32 s2, $0x0  }
0x98: {  	s3 =	rddreg [dreg:$0x2];
	[bflag:$0x3] =	sbarrier.arrive $0xFFFF;
	s2 =	simm.s32 @!p0 $0x1C01  }
0x99: {  	[timem:s3], [sflag:s2] =	dma.local @!p0 [hbm:s0], s1  }
0x9a: {  	s0 =	simm.s32 @!p0 $0x1  }
0x9b: {  	_ =	swait.ge @!p0 [sflag:s0], s1  }
0x9c: {  	s1 =	ssub.s32 @!p0 $0x0, s1;
	[sflag:s0] =	ssyncset.done @!p0 $0x0  }
0x9d: {  	[sflag:s0] =	ssyncadd.s32 @!p0 s1  }
0x9e: {  	[bflag:$0x3] =	sbarrier.arrive $0xFFFF  }
0x9f: {  	_ =	shalt  }

</sc_bundles>
